<compile_context>
chip_gen: v7x
topology: tpu7x:2x2x1
jax: 0.10.2.dev20260603
libtpu: 0.0.44.dev20260713+nightly
codegen_flags: <defaults>
</compile_context>

<pallas_src>
import jax
import jax.numpy as jnp
from jax import lax
from jax.experimental import pallas as pl
from jax.experimental.pallas import tpu as pltpu
from jax.experimental.pallas import tpu_sc as plsc

B = 16384
D = 32
NUM_WORKERS = 32
BPW = B // NUM_WORKERS
CHUNK = 128
NCHUNK = BPW // CHUNK
GROUPS = BPW // 16

def _perm(x, p):
    return x.at[p].get(mode="promise_in_bounds")


def _merge(a, b, m, lanes):
    h = m // 2
    p = lanes ^ h
    pa = a + _perm(a, p)
    pb = b + _perm(b, p)
    mask = (lanes & h) == 0
    return jnp.where(mask, pa, _perm(pb, p))


def _rowsums16(vecs, lanes):
    m = 16
    while len(vecs) > 1:
        half = len(vecs) // 2
        vecs = [_merge(vecs[i], vecs[i + half], m, lanes) for i in range(half)]
        m //= 2
    return vecs[0]


def _mf_body(uid_hbm, iid_hbm, ut_hbm, it_hbm, out_hbm,
             uidx_v, iidx_v, urows_v, irows_v, res_v, sem):
    c = lax.axis_index("c")
    s = lax.axis_index("s")
    wid = s * 2 + c
    base = wid * BPW

    pltpu.sync_copy(uid_hbm.at[pl.ds(base, BPW)], uidx_v)
    pltpu.sync_copy(iid_hbm.at[pl.ds(base, BPW)], iidx_v)

    copies = []
    for k in range(NCHUNK):
        sl = pl.ds(k * CHUNK, CHUNK)
        copies.append(pltpu.async_copy(ut_hbm.at[uidx_v.at[sl]], urows_v.at[sl], sem))
        copies.append(pltpu.async_copy(it_hbm.at[iidx_v.at[sl]], irows_v.at[sl], sem))
    for cp in copies:
        cp.wait()

    lanes = lax.iota(jnp.int32, 16)

    def group(g, carry):
        row0 = g * 16
        prods = []
        for r in range(16):
            row = row0 + r
            t = (urows_v[row, pl.ds(0, 16)] * irows_v[row, pl.ds(0, 16)]
                 + urows_v[row, pl.ds(16, 16)] * irows_v[row, pl.ds(16, 16)])
            prods.append(t)
        dots = _rowsums16(prods, lanes)
        res_v[pl.ds(row0, 16)] = 1.0 / (1.0 + jnp.exp(-dots))
        return carry

    lax.fori_loop(0, GROUPS, group, 0)

    pltpu.sync_copy(res_v, out_hbm.at[pl.ds(base, BPW)])


def kernel(user_ids, item_ids, user_table, item_table):
    mesh = plsc.VectorSubcoreMesh(core_axis_name="c", subcore_axis_name="s")
    mf = pl.kernel(
        _mf_body,
        mesh=mesh,
        out_type=jax.ShapeDtypeStruct((B,), jnp.float32),
        scratch_types=[
            pltpu.VMEM((BPW,), jnp.int32),
            pltpu.VMEM((BPW,), jnp.int32),
            pltpu.VMEM((BPW, D), jnp.float32),
            pltpu.VMEM((BPW, D), jnp.float32),
            pltpu.VMEM((BPW,), jnp.float32),
            pltpu.SemaphoreType.DMA,
        ],
        compiler_params=pltpu.CompilerParams(use_tc_tiling_on_sc=False),
    )
    return mf(user_ids.astype(jnp.int32), item_ids.astype(jnp.int32),
              user_table, item_table)

# --- scband reference (transcript-rebuilt; emitter-appended) ---
"""Pipeline reference for scband-basic-mf-51204600103082 (READ-ONLY COPY).

The authoritative reference and input builder live on the scoring server;
editing this copy changes nothing except your own understanding.
"""

import jax, jax.numpy as jnp
import numpy as np

NUM_USERS = 1000000
NUM_ITEMS = 1000000
EMBED_DIM = 32
BATCH = 16384

def setup_inputs(seed: int = 0) -> dict:
    key = jax.random.key(seed)
    k1, k2, k3, k4 = jax.random.split(key, 4)
    user_ids = jax.random.randint(k1, (BATCH,), 0, NUM_USERS, dtype=jnp.int64 if jax.config.jax_enable_x64 else jnp.int32)
    item_ids = jax.random.randint(k2, (BATCH,), 0, NUM_ITEMS, dtype=jnp.int64 if jax.config.jax_enable_x64 else jnp.int32)
    user_table = jax.random.normal(k3, (NUM_USERS, EMBED_DIM), dtype=jnp.float32)
    item_table = jax.random.normal(k4, (NUM_ITEMS, EMBED_DIM), dtype=jnp.float32)
    return {"user_ids": user_ids, "item_ids": item_ids, "user_table": user_table, "item_table": item_table}

def reference(user_ids, item_ids, user_table, item_table):
    user_embedding = jnp.take(user_table, user_ids, axis=0)
    item_embedding = jnp.take(item_table, item_ids, axis=0)
    ratings = (user_embedding * item_embedding).sum(axis=1)
    probabilities = jax.nn.sigmoid(ratings)
    return probabilities

if __name__ == "__main__":
    import jax
    _d = setup_inputs()
    print(jax.jit(kernel)(*tuple(_d.values())))

</pallas_src>

<mosaic_0001>
#map = affine_map<(d0, d1) -> (0)>
#map1 = affine_map<(d0, d1) -> (0, 0)>
module attributes {stable_mosaic.version = 14 : i64} {
  func.func @_mf_body(%arg0: i32, %arg1: i32, %arg2: memref<16384xi32, #tpu.memory_space<hbm>>, %arg3: memref<16384xi32, #tpu.memory_space<hbm>>, %arg4: memref<1000000x32xf32, #tpu.memory_space<hbm>>, %arg5: memref<1000000x32xf32, #tpu.memory_space<hbm>>, %arg6: memref<16384xf32, #tpu.memory_space<hbm>>, %arg7: memref<512xi32, #tpu.memory_space<vmem>>, %arg8: memref<512xi32, #tpu.memory_space<vmem>>, %arg9: memref<512x32xf32, #tpu.memory_space<vmem>>, %arg10: memref<512x32xf32, #tpu.memory_space<vmem>>, %arg11: memref<512xf32, #tpu.memory_space<vmem>>, %arg12: memref<!tpu.dma_semaphore, #tpu.memory_space<semaphore_mem>>) attributes {dimension_semantics = [#tpu.dimension_semantics<core_parallel>, #tpu.dimension_semantics<subcore_parallel>], iteration_bounds = array<i64: 2, 16>, scalar_prefetch = 0 : i64, scratch_operands = 6 : i64, tpu.core_type = #tpu.core_type<sc_vector_subcore>, window_params = [{transform_indices = #map}, {transform_indices = #map}, {transform_indices = #map1}, {transform_indices = #map1}, {transform_indices = #map}]} {
    %mul3A = arith.constant 2 : i32
    %mul3A_0 = arith.muli %arg1, %mul3A : i32
    %add3A = arith.addi %mul3A_0, %arg0 : i32
    %mul3A_1 = arith.constant 512 : i32
    %mul3A_2 = arith.muli %add3A, %mul3A_1 : i32
    "tpu.region"() ({
      %run_scoped3A = tpu.sem_alloc : memref<!tpu.dma_semaphore, #tpu.memory_space<semaphore_mem>>
      %dma_start3A_134 = tpu.memref_slice %arg2[%mul3A_2] : memref<16384xi32, #tpu.memory_space<hbm>> -> memref<512xi32, #tpu.memory_space<hbm>>
      %dma_start3A_135 = tpu.memref_slice %arg2[%mul3A_2] : memref<16384xi32, #tpu.memory_space<hbm>> -> memref<512xi32, #tpu.memory_space<hbm>>
      tpu.enqueue_dma source(%dma_start3A_135 : memref<512xi32, #tpu.memory_space<hbm>>) target(%arg7 : memref<512xi32, #tpu.memory_space<vmem>>) target_semaphore(%run_scoped3A : memref<!tpu.dma_semaphore, #tpu.memory_space<semaphore_mem>>)
      %dma_wait3A_136 = tpu.memref_slice %arg2[%mul3A_2] : memref<16384xi32, #tpu.memory_space<hbm>> -> memref<512xi32, #tpu.memory_space<hbm>>
      %dma_wait3A_137 = tpu.memref_slice %arg2[%mul3A_2] : memref<16384xi32, #tpu.memory_space<hbm>> -> memref<512xi32, #tpu.memory_space<hbm>>
      tpu.wait_dma2 semaphore(%run_scoped3A : memref<!tpu.dma_semaphore, #tpu.memory_space<semaphore_mem>>) src(%dma_wait3A_137 : memref<512xi32, #tpu.memory_space<hbm>>) dst(%arg7 : memref<512xi32, #tpu.memory_space<vmem>>)
      tpu.yield
    }) : () -> ()
    "tpu.region"() ({
      %run_scoped3A = tpu.sem_alloc : memref<!tpu.dma_semaphore, #tpu.memory_space<semaphore_mem>>
      %dma_start3A_134 = tpu.memref_slice %arg3[%mul3A_2] : memref<16384xi32, #tpu.memory_space<hbm>> -> memref<512xi32, #tpu.memory_space<hbm>>
      %dma_start3A_135 = tpu.memref_slice %arg3[%mul3A_2] : memref<16384xi32, #tpu.memory_space<hbm>> -> memref<512xi32, #tpu.memory_space<hbm>>
      tpu.enqueue_dma source(%dma_start3A_135 : memref<512xi32, #tpu.memory_space<hbm>>) target(%arg8 : memref<512xi32, #tpu.memory_space<vmem>>) target_semaphore(%run_scoped3A : memref<!tpu.dma_semaphore, #tpu.memory_space<semaphore_mem>>)
      %dma_wait3A_136 = tpu.memref_slice %arg3[%mul3A_2] : memref<16384xi32, #tpu.memory_space<hbm>> -> memref<512xi32, #tpu.memory_space<hbm>>
      %dma_wait3A_137 = tpu.memref_slice %arg3[%mul3A_2] : memref<16384xi32, #tpu.memory_space<hbm>> -> memref<512xi32, #tpu.memory_space<hbm>>
      tpu.wait_dma2 semaphore(%run_scoped3A : memref<!tpu.dma_semaphore, #tpu.memory_space<semaphore_mem>>) src(%dma_wait3A_137 : memref<512xi32, #tpu.memory_space<hbm>>) dst(%arg8 : memref<512xi32, #tpu.memory_space<vmem>>)
      tpu.yield
    }) : () -> ()
    %dma_start3A = arith.constant 0 : i32
    %dma_start3A_3 = arith.constant 0 : i32
    %dma_start3A_4 = tpu.memref_slice %arg9[%dma_start3A, %dma_start3A_3] : memref<512x32xf32, #tpu.memory_space<vmem>> -> memref<128x32xf32, #tpu.memory_space<vmem>>
    %dma_start3A_5 = arith.constant 0 : i32
    %dma_start3A_6 = tpu.memref_slice %arg7[%dma_start3A_5] : memref<512xi32, #tpu.memory_space<vmem>> -> memref<128xi32, #tpu.memory_space<vmem>>
    %dma_start3A_7 = arith.constant 0 : i32
    %dma_start3A_8 = arith.constant 0 : i32
    %dma_start3A_9 = tpu.memref_slice %arg4[%dma_start3A_7, %dma_start3A_8] : memref<1000000x32xf32, #tpu.memory_space<hbm>> -> memref<1000000x32xf32, #tpu.memory_space<hbm>>
    tpu.enqueue_indirect_dma source(%dma_start3A_9 : memref<1000000x32xf32, #tpu.memory_space<hbm>>) target(%dma_start3A_4 : memref<128x32xf32, #tpu.memory_space<vmem>>) offsets(%dma_start3A_6 : memref<128xi32, #tpu.memory_space<vmem>>) semaphore(%arg12 : memref<!tpu.dma_semaphore, #tpu.memory_space<semaphore_mem>>)
    %dma_start3A_10 = arith.constant 0 : i32
    %dma_start3A_11 = arith.constant 0 : i32
    %dma_start3A_12 = tpu.memref_slice %arg10[%dma_start3A_10, %dma_start3A_11] : memref<512x32xf32, #tpu.memory_space<vmem>> -> memref<128x32xf32, #tpu.memory_space<vmem>>
    %dma_start3A_13 = arith.constant 0 : i32
    %dma_start3A_14 = tpu.memref_slice %arg8[%dma_start3A_13] : memref<512xi32, #tpu.memory_space<vmem>> -> memref<128xi32, #tpu.memory_space<vmem>>
    %dma_start3A_15 = arith.constant 0 : i32
    %dma_start3A_16 = arith.constant 0 : i32
    %dma_start3A_17 = tpu.memref_slice %arg5[%dma_start3A_15, %dma_start3A_16] : memref<1000000x32xf32, #tpu.memory_space<hbm>> -> memref<1000000x32xf32, #tpu.memory_space<hbm>>
    tpu.enqueue_indirect_dma source(%dma_start3A_17 : memref<1000000x32xf32, #tpu.memory_space<hbm>>) target(%dma_start3A_12 : memref<128x32xf32, #tpu.memory_space<vmem>>) offsets(%dma_start3A_14 : memref<128xi32, #tpu.memory_space<vmem>>) semaphore(%arg12 : memref<!tpu.dma_semaphore, #tpu.memory_space<semaphore_mem>>)
    %dma_start3A_18 = arith.constant 128 : i32
    %dma_start3A_19 = arith.constant 0 : i32
    %dma_start3A_20 = tpu.memref_slice %arg9[%dma_start3A_18, %dma_start3A_19] : memref<512x32xf32, #tpu.memory_space<vmem>> -> memref<128x32xf32, #tpu.memory_space<vmem>>
    %dma_start3A_21 = arith.constant 128 : i32
    %dma_start3A_22 = tpu.memref_slice %arg7[%dma_start3A_21] : memref<512xi32, #tpu.memory_space<vmem>> -> memref<128xi32, #tpu.memory_space<vmem>>
    %dma_start3A_23 = arith.constant 0 : i32
    %dma_start3A_24 = arith.constant 0 : i32
    %dma_start3A_25 = tpu.memref_slice %arg4[%dma_start3A_23, %dma_start3A_24] : memref<1000000x32xf32, #tpu.memory_space<hbm>> -> memref<1000000x32xf32, #tpu.memory_space<hbm>>
    tpu.enqueue_indirect_dma source(%dma_start3A_25 : memref<1000000x32xf32, #tpu.memory_space<hbm>>) target(%dma_start3A_20 : memref<128x32xf32, #tpu.memory_space<vmem>>) offsets(%dma_start3A_22 : memref<128xi32, #tpu.memory_space<vmem>>) semaphore(%arg12 : memref<!tpu.dma_semaphore, #tpu.memory_space<semaphore_mem>>)
    %dma_start3A_26 = arith.constant 128 : i32
    %dma_start3A_27 = arith.constant 0 : i32
    %dma_start3A_28 = tpu.memref_slice %arg10[%dma_start3A_26, %dma_start3A_27] : memref<512x32xf32, #tpu.memory_space<vmem>> -> memref<128x32xf32, #tpu.memory_space<vmem>>
    %dma_start3A_29 = arith.constant 128 : i32
    %dma_start3A_30 = tpu.memref_slice %arg8[%dma_start3A_29] : memref<512xi32, #tpu.memory_space<vmem>> -> memref<128xi32, #tpu.memory_space<vmem>>
    %dma_start3A_31 = arith.constant 0 : i32
    %dma_start3A_32 = arith.constant 0 : i32
    %dma_start3A_33 = tpu.memref_slice %arg5[%dma_start3A_31, %dma_start3A_32] : memref<1000000x32xf32, #tpu.memory_space<hbm>> -> memref<1000000x32xf32, #tpu.memory_space<hbm>>
    tpu.enqueue_indirect_dma source(%dma_start3A_33 : memref<1000000x32xf32, #tpu.memory_space<hbm>>) target(%dma_start3A_28 : memref<128x32xf32, #tpu.memory_space<vmem>>) offsets(%dma_start3A_30 : memref<128xi32, #tpu.memory_space<vmem>>) semaphore(%arg12 : memref<!tpu.dma_semaphore, #tpu.memory_space<semaphore_mem>>)
    %dma_start3A_34 = arith.constant 256 : i32
    %dma_start3A_35 = arith.constant 0 : i32
    %dma_start3A_36 = tpu.memref_slice %arg9[%dma_start3A_34, %dma_start3A_35] : memref<512x32xf32, #tpu.memory_space<vmem>> -> memref<128x32xf32, #tpu.memory_space<vmem>>
    %dma_start3A_37 = arith.constant 256 : i32
    %dma_start3A_38 = tpu.memref_slice %arg7[%dma_start3A_37] : memref<512xi32, #tpu.memory_space<vmem>> -> memref<128xi32, #tpu.memory_space<vmem>>
    %dma_start3A_39 = arith.constant 0 : i32
    %dma_start3A_40 = arith.constant 0 : i32
    %dma_start3A_41 = tpu.memref_slice %arg4[%dma_start3A_39, %dma_start3A_40] : memref<1000000x32xf32, #tpu.memory_space<hbm>> -> memref<1000000x32xf32, #tpu.memory_space<hbm>>
    tpu.enqueue_indirect_dma source(%dma_start3A_41 : memref<1000000x32xf32, #tpu.memory_space<hbm>>) target(%dma_start3A_36 : memref<128x32xf32, #tpu.memory_space<vmem>>) offsets(%dma_start3A_38 : memref<128xi32, #tpu.memory_space<vmem>>) semaphore(%arg12 : memref<!tpu.dma_semaphore, #tpu.memory_space<semaphore_mem>>)
    %dma_start3A_42 = arith.constant 256 : i32
    %dma_start3A_43 = arith.constant 0 : i32
    %dma_start3A_44 = tpu.memref_slice %arg10[%dma_start3A_42, %dma_start3A_43] : memref<512x32xf32, #tpu.memory_space<vmem>> -> memref<128x32xf32, #tpu.memory_space<vmem>>
    %dma_start3A_45 = arith.constant 256 : i32
    %dma_start3A_46 = tpu.memref_slice %arg8[%dma_start3A_45] : memref<512xi32, #tpu.memory_space<vmem>> -> memref<128xi32, #tpu.memory_space<vmem>>
    %dma_start3A_47 = arith.constant 0 : i32
    %dma_start3A_48 = arith.constant 0 : i32
    %dma_start3A_49 = tpu.memref_slice %arg5[%dma_start3A_47, %dma_start3A_48] : memref<1000000x32xf32, #tpu.memory_space<hbm>> -> memref<1000000x32xf32, #tpu.memory_space<hbm>>
    tpu.enqueue_indirect_dma source(%dma_start3A_49 : memref<1000000x32xf32, #tpu.memory_space<hbm>>) target(%dma_start3A_44 : memref<128x32xf32, #tpu.memory_space<vmem>>) offsets(%dma_start3A_46 : memref<128xi32, #tpu.memory_space<vmem>>) semaphore(%arg12 : memref<!tpu.dma_semaphore, #tpu.memory_space<semaphore_mem>>)
    %dma_start3A_50 = arith.constant 384 : i32
    %dma_start3A_51 = arith.constant 0 : i32
    %dma_start3A_52 = tpu.memref_slice %arg9[%dma_start3A_50, %dma_start3A_51] : memref<512x32xf32, #tpu.memory_space<vmem>> -> memref<128x32xf32, #tpu.memory_space<vmem>>
    %dma_start3A_53 = arith.constant 384 : i32
    %dma_start3A_54 = tpu.memref_slice %arg7[%dma_start3A_53] : memref<512xi32, #tpu.memory_space<vmem>> -> memref<128xi32, #tpu.memory_space<vmem>>
    %dma_start3A_55 = arith.constant 0 : i32
    %dma_start3A_56 = arith.constant 0 : i32
    %dma_start3A_57 = tpu.memref_slice %arg4[%dma_start3A_55, %dma_start3A_56] : memref<1000000x32xf32, #tpu.memory_space<hbm>> -> memref<1000000x32xf32, #tpu.memory_space<hbm>>
    tpu.enqueue_indirect_dma source(%dma_start3A_57 : memref<1000000x32xf32, #tpu.memory_space<hbm>>) target(%dma_start3A_52 : memref<128x32xf32, #tpu.memory_space<vmem>>) offsets(%dma_start3A_54 : memref<128xi32, #tpu.memory_space<vmem>>) semaphore(%arg12 : memref<!tpu.dma_semaphore, #tpu.memory_space<semaphore_mem>>)
    %dma_start3A_58 = arith.constant 384 : i32
    %dma_start3A_59 = arith.constant 0 : i32
    %dma_start3A_60 = tpu.memref_slice %arg10[%dma_start3A_58, %dma_start3A_59] : memref<512x32xf32, #tpu.memory_space<vmem>> -> memref<128x32xf32, #tpu.memory_space<vmem>>
    %dma_start3A_61 = arith.constant 384 : i32
    %dma_start3A_62 = tpu.memref_slice %arg8[%dma_start3A_61] : memref<512xi32, #tpu.memory_space<vmem>> -> memref<128xi32, #tpu.memory_space<vmem>>
    %dma_start3A_63 = arith.constant 0 : i32
    %dma_start3A_64 = arith.constant 0 : i32
    %dma_start3A_65 = tpu.memref_slice %arg5[%dma_start3A_63, %dma_start3A_64] : memref<1000000x32xf32, #tpu.memory_space<hbm>> -> memref<1000000x32xf32, #tpu.memory_space<hbm>>
    tpu.enqueue_indirect_dma source(%dma_start3A_65 : memref<1000000x32xf32, #tpu.memory_space<hbm>>) target(%dma_start3A_60 : memref<128x32xf32, #tpu.memory_space<vmem>>) offsets(%dma_start3A_62 : memref<128xi32, #tpu.memory_space<vmem>>) semaphore(%arg12 : memref<!tpu.dma_semaphore, #tpu.memory_space<semaphore_mem>>)
    %dma_wait3A = arith.constant 0 : i32
    %dma_wait3A_66 = arith.constant 0 : i32
    %dma_wait3A_67 = tpu.memref_slice %arg9[%dma_wait3A, %dma_wait3A_66] : memref<512x32xf32, #tpu.memory_space<vmem>> -> memref<128x32xf32, #tpu.memory_space<vmem>>
    %dma_wait3A_68 = arith.constant 0 : i32
    %dma_wait3A_69 = tpu.memref_slice %arg7[%dma_wait3A_68] : memref<512xi32, #tpu.memory_space<vmem>> -> memref<128xi32, #tpu.memory_space<vmem>>
    %dma_wait3A_70 = arith.constant 0 : i32
    %dma_wait3A_71 = arith.constant 0 : i32
    %dma_wait3A_72 = tpu.memref_slice %arg4[%dma_wait3A_70, %dma_wait3A_71] : memref<1000000x32xf32, #tpu.memory_space<hbm>> -> memref<1000000x32xf32, #tpu.memory_space<hbm>>
    tpu.wait_indirect_dma semaphore(%arg12 : memref<!tpu.dma_semaphore, #tpu.memory_space<semaphore_mem>>) src(%dma_wait3A_72 : memref<1000000x32xf32, #tpu.memory_space<hbm>>) dst(%dma_wait3A_67 : memref<128x32xf32, #tpu.memory_space<vmem>>)
    %dma_wait3A_73 = arith.constant 0 : i32
    %dma_wait3A_74 = arith.constant 0 : i32
    %dma_wait3A_75 = tpu.memref_slice %arg10[%dma_wait3A_73, %dma_wait3A_74] : memref<512x32xf32, #tpu.memory_space<vmem>> -> memref<128x32xf32, #tpu.memory_space<vmem>>
    %dma_wait3A_76 = arith.constant 0 : i32
    %dma_wait3A_77 = tpu.memref_slice %arg8[%dma_wait3A_76] : memref<512xi32, #tpu.memory_space<vmem>> -> memref<128xi32, #tpu.memory_space<vmem>>
    %dma_wait3A_78 = arith.constant 0 : i32
    %dma_wait3A_79 = arith.constant 0 : i32
    %dma_wait3A_80 = tpu.memref_slice %arg5[%dma_wait3A_78, %dma_wait3A_79] : memref<1000000x32xf32, #tpu.memory_space<hbm>> -> memref<1000000x32xf32, #tpu.memory_space<hbm>>
    tpu.wait_indirect_dma semaphore(%arg12 : memref<!tpu.dma_semaphore, #tpu.memory_space<semaphore_mem>>) src(%dma_wait3A_80 : memref<1000000x32xf32, #tpu.memory_space<hbm>>) dst(%dma_wait3A_75 : memref<128x32xf32, #tpu.memory_space<vmem>>)
    %dma_wait3A_81 = arith.constant 128 : i32
    %dma_wait3A_82 = arith.constant 0 : i32
    %dma_wait3A_83 = tpu.memref_slice %arg9[%dma_wait3A_81, %dma_wait3A_82] : memref<512x32xf32, #tpu.memory_space<vmem>> -> memref<128x32xf32, #tpu.memory_space<vmem>>
    %dma_wait3A_84 = arith.constant 128 : i32
    %dma_wait3A_85 = tpu.memref_slice %arg7[%dma_wait3A_84] : memref<512xi32, #tpu.memory_space<vmem>> -> memref<128xi32, #tpu.memory_space<vmem>>
    %dma_wait3A_86 = arith.constant 0 : i32
    %dma_wait3A_87 = arith.constant 0 : i32
    %dma_wait3A_88 = tpu.memref_slice %arg4[%dma_wait3A_86, %dma_wait3A_87] : memref<1000000x32xf32, #tpu.memory_space<hbm>> -> memref<1000000x32xf32, #tpu.memory_space<hbm>>
    tpu.wait_indirect_dma semaphore(%arg12 : memref<!tpu.dma_semaphore, #tpu.memory_space<semaphore_mem>>) src(%dma_wait3A_88 : memref<1000000x32xf32, #tpu.memory_space<hbm>>) dst(%dma_wait3A_83 : memref<128x32xf32, #tpu.memory_space<vmem>>)
    %dma_wait3A_89 = arith.constant 128 : i32
    %dma_wait3A_90 = arith.constant 0 : i32
    %dma_wait3A_91 = tpu.memref_slice %arg10[%dma_wait3A_89, %dma_wait3A_90] : memref<512x32xf32, #tpu.memory_space<vmem>> -> memref<128x32xf32, #tpu.memory_space<vmem>>
    %dma_wait3A_92 = arith.constant 128 : i32
    %dma_wait3A_93 = tpu.memref_slice %arg8[%dma_wait3A_92] : memref<512xi32, #tpu.memory_space<vmem>> -> memref<128xi32, #tpu.memory_space<vmem>>
    %dma_wait3A_94 = arith.constant 0 : i32
    %dma_wait3A_95 = arith.constant 0 : i32
    %dma_wait3A_96 = tpu.memref_slice %arg5[%dma_wait3A_94, %dma_wait3A_95] : memref<1000000x32xf32, #tpu.memory_space<hbm>> -> memref<1000000x32xf32, #tpu.memory_space<hbm>>
    tpu.wait_indirect_dma semaphore(%arg12 : memref<!tpu.dma_semaphore, #tpu.memory_space<semaphore_mem>>) src(%dma_wait3A_96 : memref<1000000x32xf32, #tpu.memory_space<hbm>>) dst(%dma_wait3A_91 : memref<128x32xf32, #tpu.memory_space<vmem>>)
    %dma_wait3A_97 = arith.constant 256 : i32
    %dma_wait3A_98 = arith.constant 0 : i32
    %dma_wait3A_99 = tpu.memref_slice %arg9[%dma_wait3A_97, %dma_wait3A_98] : memref<512x32xf32, #tpu.memory_space<vmem>> -> memref<128x32xf32, #tpu.memory_space<vmem>>
    %dma_wait3A_100 = arith.constant 256 : i32
    %dma_wait3A_101 = tpu.memref_slice %arg7[%dma_wait3A_100] : memref<512xi32, #tpu.memory_space<vmem>> -> memref<128xi32, #tpu.memory_space<vmem>>
    %dma_wait3A_102 = arith.constant 0 : i32
    %dma_wait3A_103 = arith.constant 0 : i32
    %dma_wait3A_104 = tpu.memref_slice %arg4[%dma_wait3A_102, %dma_wait3A_103] : memref<1000000x32xf32, #tpu.memory_space<hbm>> -> memref<1000000x32xf32, #tpu.memory_space<hbm>>
    tpu.wait_indirect_dma semaphore(%arg12 : memref<!tpu.dma_semaphore, #tpu.memory_space<semaphore_mem>>) src(%dma_wait3A_104 : memref<1000000x32xf32, #tpu.memory_space<hbm>>) dst(%dma_wait3A_99 : memref<128x32xf32, #tpu.memory_space<vmem>>)
    %dma_wait3A_105 = arith.constant 256 : i32
    %dma_wait3A_106 = arith.constant 0 : i32
    %dma_wait3A_107 = tpu.memref_slice %arg10[%dma_wait3A_105, %dma_wait3A_106] : memref<512x32xf32, #tpu.memory_space<vmem>> -> memref<128x32xf32, #tpu.memory_space<vmem>>
    %dma_wait3A_108 = arith.constant 256 : i32
    %dma_wait3A_109 = tpu.memref_slice %arg8[%dma_wait3A_108] : memref<512xi32, #tpu.memory_space<vmem>> -> memref<128xi32, #tpu.memory_space<vmem>>
    %dma_wait3A_110 = arith.constant 0 : i32
    %dma_wait3A_111 = arith.constant 0 : i32
    %dma_wait3A_112 = tpu.memref_slice %arg5[%dma_wait3A_110, %dma_wait3A_111] : memref<1000000x32xf32, #tpu.memory_space<hbm>> -> memref<1000000x32xf32, #tpu.memory_space<hbm>>
    tpu.wait_indirect_dma semaphore(%arg12 : memref<!tpu.dma_semaphore, #tpu.memory_space<semaphore_mem>>) src(%dma_wait3A_112 : memref<1000000x32xf32, #tpu.memory_space<hbm>>) dst(%dma_wait3A_107 : memref<128x32xf32, #tpu.memory_space<vmem>>)
    %dma_wait3A_113 = arith.constant 384 : i32
    %dma_wait3A_114 = arith.constant 0 : i32
    %dma_wait3A_115 = tpu.memref_slice %arg9[%dma_wait3A_113, %dma_wait3A_114] : memref<512x32xf32, #tpu.memory_space<vmem>> -> memref<128x32xf32, #tpu.memory_space<vmem>>
    %dma_wait3A_116 = arith.constant 384 : i32
    %dma_wait3A_117 = tpu.memref_slice %arg7[%dma_wait3A_116] : memref<512xi32, #tpu.memory_space<vmem>> -> memref<128xi32, #tpu.memory_space<vmem>>
    %dma_wait3A_118 = arith.constant 0 : i32
    %dma_wait3A_119 = arith.constant 0 : i32
    %dma_wait3A_120 = tpu.memref_slice %arg4[%dma_wait3A_118, %dma_wait3A_119] : memref<1000000x32xf32, #tpu.memory_space<hbm>> -> memref<1000000x32xf32, #tpu.memory_space<hbm>>
    tpu.wait_indirect_dma semaphore(%arg12 : memref<!tpu.dma_semaphore, #tpu.memory_space<semaphore_mem>>) src(%dma_wait3A_120 : memref<1000000x32xf32, #tpu.memory_space<hbm>>) dst(%dma_wait3A_115 : memref<128x32xf32, #tpu.memory_space<vmem>>)
    %dma_wait3A_121 = arith.constant 384 : i32
    %dma_wait3A_122 = arith.constant 0 : i32
    %dma_wait3A_123 = tpu.memref_slice %arg10[%dma_wait3A_121, %dma_wait3A_122] : memref<512x32xf32, #tpu.memory_space<vmem>> -> memref<128x32xf32, #tpu.memory_space<vmem>>
    %dma_wait3A_124 = arith.constant 384 : i32
    %dma_wait3A_125 = tpu.memref_slice %arg8[%dma_wait3A_124] : memref<512xi32, #tpu.memory_space<vmem>> -> memref<128xi32, #tpu.memory_space<vmem>>
    %dma_wait3A_126 = arith.constant 0 : i32
    %dma_wait3A_127 = arith.constant 0 : i32
    %dma_wait3A_128 = tpu.memref_slice %arg5[%dma_wait3A_126, %dma_wait3A_127] : memref<1000000x32xf32, #tpu.memory_space<hbm>> -> memref<1000000x32xf32, #tpu.memory_space<hbm>>
    tpu.wait_indirect_dma semaphore(%arg12 : memref<!tpu.dma_semaphore, #tpu.memory_space<semaphore_mem>>) src(%dma_wait3A_128 : memref<1000000x32xf32, #tpu.memory_space<hbm>>) dst(%dma_wait3A_123 : memref<128x32xf32, #tpu.memory_space<vmem>>)
    %iota3A = tpu.iota {dimensions = array<i32: 0>} : vector<16xi32>
    %scan3A = arith.constant 0 : i32
    %scan3A_129 = arith.constant 0 : i32
    %scan3A_130 = arith.constant 32 : i32
    %scan3A_131 = arith.addi %scan3A_129, %scan3A_130 : i32
    %scan3A_132 = arith.constant 1 : i32
    scf.for %scan3A_134 = %scan3A_129 to %scan3A_131 step %scan3A_132  : i32 {
      %mul3A_135 = arith.constant 16 : i32
      %mul3A_136 = arith.muli %scan3A_134, %mul3A_135 : i32
      %add3A_137 = arith.constant 0 : i32
      %add3A_138 = arith.addi %mul3A_136, %add3A_137 : i32
      %get3A = arith.index_cast %add3A_138 : i32 to index
      %get3A_139 = arith.constant 0 : index
      %get3A_140 = tpu.vector_load %arg9[%get3A, %get3A_139] {strides = array<i32>} : memref<512x32xf32, #tpu.memory_space<vmem>>, vector<1x16xf32>,
      %get3A_141 = vector.shape_cast %get3A_140 : vector<1x16xf32> to vector<16xf32>
      %get3A_142 = arith.index_cast %add3A_138 : i32 to index
      %get3A_143 = arith.constant 0 : index
      %get3A_144 = tpu.vector_load %arg10[%get3A_142, %get3A_143] {strides = array<i32>} : memref<512x32xf32, #tpu.memory_space<vmem>>, vector<1x16xf32>,
      %get3A_145 = vector.shape_cast %get3A_144 : vector<1x16xf32> to vector<16xf32>
      %mul3A_146 = arith.mulf %get3A_141, %get3A_145 : vector<16xf32>
      %get3A_147 = arith.index_cast %add3A_138 : i32 to index
      %get3A_148 = arith.constant 16 : index
      %get3A_149 = tpu.vector_load %arg9[%get3A_147, %get3A_148] {strides = array<i32>} : memref<512x32xf32, #tpu.memory_space<vmem>>, vector<1x16xf32>,
      %get3A_150 = vector.shape_cast %get3A_149 : vector<1x16xf32> to vector<16xf32>
      %get3A_151 = arith.index_cast %add3A_138 : i32 to index
      %get3A_152 = arith.constant 16 : index
      %get3A_153 = tpu.vector_load %arg10[%get3A_151, %get3A_152] {strides = array<i32>} : memref<512x32xf32, #tpu.memory_space<vmem>>, vector<1x16xf32>,
      %get3A_154 = vector.shape_cast %get3A_153 : vector<1x16xf32> to vector<16xf32>
      %mul3A_155 = arith.mulf %get3A_150, %get3A_154 : vector<16xf32>
      %add3A_156 = arith.addf %mul3A_146, %mul3A_155 : vector<16xf32>
      %add3A_157 = arith.constant 1 : i32
      %add3A_158 = arith.addi %mul3A_136, %add3A_157 : i32
      %get3A_159 = arith.index_cast %add3A_158 : i32 to index
      %get3A_160 = arith.constant 0 : index
      %get3A_161 = tpu.vector_load %arg9[%get3A_159, %get3A_160] {strides = array<i32>} : memref<512x32xf32, #tpu.memory_space<vmem>>, vector<1x16xf32>,
      %get3A_162 = vector.shape_cast %get3A_161 : vector<1x16xf32> to vector<16xf32>
      %get3A_163 = arith.index_cast %add3A_158 : i32 to index
      %get3A_164 = arith.constant 0 : index
      %get3A_165 = tpu.vector_load %arg10[%get3A_163, %get3A_164] {strides = array<i32>} : memref<512x32xf32, #tpu.memory_space<vmem>>, vector<1x16xf32>,
      %get3A_166 = vector.shape_cast %get3A_165 : vector<1x16xf32> to vector<16xf32>
      %mul3A_167 = arith.mulf %get3A_162, %get3A_166 : vector<16xf32>
      %get3A_168 = arith.index_cast %add3A_158 : i32 to index
      %get3A_169 = arith.constant 16 : index
      %get3A_170 = tpu.vector_load %arg9[%get3A_168, %get3A_169] {strides = array<i32>} : memref<512x32xf32, #tpu.memory_space<vmem>>, vector<1x16xf32>,
      %get3A_171 = vector.shape_cast %get3A_170 : vector<1x16xf32> to vector<16xf32>
      %get3A_172 = arith.index_cast %add3A_158 : i32 to index
      %get3A_173 = arith.constant 16 : index
      %get3A_174 = tpu.vector_load %arg10[%get3A_172, %get3A_173] {strides = array<i32>} : memref<512x32xf32, #tpu.memory_space<vmem>>, vector<1x16xf32>,
      %get3A_175 = vector.shape_cast %get3A_174 : vector<1x16xf32> to vector<16xf32>
      %mul3A_176 = arith.mulf %get3A_171, %get3A_175 : vector<16xf32>
      %add3A_177 = arith.addf %mul3A_167, %mul3A_176 : vector<16xf32>
      %add3A_178 = arith.constant 2 : i32
      %add3A_179 = arith.addi %mul3A_136, %add3A_178 : i32
      %get3A_180 = arith.index_cast %add3A_179 : i32 to index
      %get3A_181 = arith.constant 0 : index
      %get3A_182 = tpu.vector_load %arg9[%get3A_180, %get3A_181] {strides = array<i32>} : memref<512x32xf32, #tpu.memory_space<vmem>>, vector<1x16xf32>,
      %get3A_183 = vector.shape_cast %get3A_182 : vector<1x16xf32> to vector<16xf32>
      %get3A_184 = arith.index_cast %add3A_179 : i32 to index
      %get3A_185 = arith.constant 0 : index
      %get3A_186 = tpu.vector_load %arg10[%get3A_184, %get3A_185] {strides = array<i32>} : memref<512x32xf32, #tpu.memory_space<vmem>>, vector<1x16xf32>,
      %get3A_187 = vector.shape_cast %get3A_186 : vector<1x16xf32> to vector<16xf32>
      %mul3A_188 = arith.mulf %get3A_183, %get3A_187 : vector<16xf32>
      %get3A_189 = arith.index_cast %add3A_179 : i32 to index
      %get3A_190 = arith.constant 16 : index
      %get3A_191 = tpu.vector_load %arg9[%get3A_189, %get3A_190] {strides = array<i32>} : memref<512x32xf32, #tpu.memory_space<vmem>>, vector<1x16xf32>,
      %get3A_192 = vector.shape_cast %get3A_191 : vector<1x16xf32> to vector<16xf32>
      %get3A_193 = arith.index_cast %add3A_179 : i32 to index
      %get3A_194 = arith.constant 16 : index
      %get3A_195 = tpu.vector_load %arg10[%get3A_193, %get3A_194] {strides = array<i32>} : memref<512x32xf32, #tpu.memory_space<vmem>>, vector<1x16xf32>,
      %get3A_196 = vector.shape_cast %get3A_195 : vector<1x16xf32> to vector<16xf32>
      %mul3A_197 = arith.mulf %get3A_192, %get3A_196 : vector<16xf32>
      %add3A_198 = arith.addf %mul3A_188, %mul3A_197 : vector<16xf32>
      %add3A_199 = arith.constant 3 : i32
      %add3A_200 = arith.addi %mul3A_136, %add3A_199 : i32
      %get3A_201 = arith.index_cast %add3A_200 : i32 to index
      %get3A_202 = arith.constant 0 : index
      %get3A_203 = tpu.vector_load %arg9[%get3A_201, %get3A_202] {strides = array<i32>} : memref<512x32xf32, #tpu.memory_space<vmem>>, vector<1x16xf32>,
      %get3A_204 = vector.shape_cast %get3A_203 : vector<1x16xf32> to vector<16xf32>
      %get3A_205 = arith.index_cast %add3A_200 : i32 to index
      %get3A_206 = arith.constant 0 : index
      %get3A_207 = tpu.vector_load %arg10[%get3A_205, %get3A_206] {strides = array<i32>} : memref<512x32xf32, #tpu.memory_space<vmem>>, vector<1x16xf32>,
      %get3A_208 = vector.shape_cast %get3A_207 : vector<1x16xf32> to vector<16xf32>
      %mul3A_209 = arith.mulf %get3A_204, %get3A_208 : vector<16xf32>
      %get3A_210 = arith.index_cast %add3A_200 : i32 to index
      %get3A_211 = arith.constant 16 : index
      %get3A_212 = tpu.vector_load %arg9[%get3A_210, %get3A_211] {strides = array<i32>} : memref<512x32xf32, #tpu.memory_space<vmem>>, vector<1x16xf32>,
      %get3A_213 = vector.shape_cast %get3A_212 : vector<1x16xf32> to vector<16xf32>
      %get3A_214 = arith.index_cast %add3A_200 : i32 to index
      %get3A_215 = arith.constant 16 : index
      %get3A_216 = tpu.vector_load %arg10[%get3A_214, %get3A_215] {strides = array<i32>} : memref<512x32xf32, #tpu.memory_space<vmem>>, vector<1x16xf32>,
      %get3A_217 = vector.shape_cast %get3A_216 : vector<1x16xf32> to vector<16xf32>
      %mul3A_218 = arith.mulf %get3A_213, %get3A_217 : vector<16xf32>
      %add3A_219 = arith.addf %mul3A_209, %mul3A_218 : vector<16xf32>
      %add3A_220 = arith.constant 4 : i32
      %add3A_221 = arith.addi %mul3A_136, %add3A_220 : i32
      %get3A_222 = arith.index_cast %add3A_221 : i32 to index
      %get3A_223 = arith.constant 0 : index
      %get3A_224 = tpu.vector_load %arg9[%get3A_222, %get3A_223] {strides = array<i32>} : memref<512x32xf32, #tpu.memory_space<vmem>>, vector<1x16xf32>,
      %get3A_225 = vector.shape_cast %get3A_224 : vector<1x16xf32> to vector<16xf32>
      %get3A_226 = arith.index_cast %add3A_221 : i32 to index
      %get3A_227 = arith.constant 0 : index
      %get3A_228 = tpu.vector_load %arg10[%get3A_226, %get3A_227] {strides = array<i32>} : memref<512x32xf32, #tpu.memory_space<vmem>>, vector<1x16xf32>,
      %get3A_229 = vector.shape_cast %get3A_228 : vector<1x16xf32> to vector<16xf32>
      %mul3A_230 = arith.mulf %get3A_225, %get3A_229 : vector<16xf32>
      %get3A_231 = arith.index_cast %add3A_221 : i32 to index
      %get3A_232 = arith.constant 16 : index
      %get3A_233 = tpu.vector_load %arg9[%get3A_231, %get3A_232] {strides = array<i32>} : memref<512x32xf32, #tpu.memory_space<vmem>>, vector<1x16xf32>,
      %get3A_234 = vector.shape_cast %get3A_233 : vector<1x16xf32> to vector<16xf32>
      %get3A_235 = arith.index_cast %add3A_221 : i32 to index
      %get3A_236 = arith.constant 16 : index
      %get3A_237 = tpu.vector_load %arg10[%get3A_235, %get3A_236] {strides = array<i32>} : memref<512x32xf32, #tpu.memory_space<vmem>>, vector<1x16xf32>,
      %get3A_238 = vector.shape_cast %get3A_237 : vector<1x16xf32> to vector<16xf32>
      %mul3A_239 = arith.mulf %get3A_234, %get3A_238 : vector<16xf32>
      %add3A_240 = arith.addf %mul3A_230, %mul3A_239 : vector<16xf32>
      %add3A_241 = arith.constant 5 : i32
      %add3A_242 = arith.addi %mul3A_136, %add3A_241 : i32
      %get3A_243 = arith.index_cast %add3A_242 : i32 to index
      %get3A_244 = arith.constant 0 : index
      %get3A_245 = tpu.vector_load %arg9[%get3A_243, %get3A_244] {strides = array<i32>} : memref<512x32xf32, #tpu.memory_space<vmem>>, vector<1x16xf32>,
      %get3A_246 = vector.shape_cast %get3A_245 : vector<1x16xf32> to vector<16xf32>
      %get3A_247 = arith.index_cast %add3A_242 : i32 to index
      %get3A_248 = arith.constant 0 : index
      %get3A_249 = tpu.vector_load %arg10[%get3A_247, %get3A_248] {strides = array<i32>} : memref<512x32xf32, #tpu.memory_space<vmem>>, vector<1x16xf32>,
      %get3A_250 = vector.shape_cast %get3A_249 : vector<1x16xf32> to vector<16xf32>
      %mul3A_251 = arith.mulf %get3A_246, %get3A_250 : vector<16xf32>
      %get3A_252 = arith.index_cast %add3A_242 : i32 to index
      %get3A_253 = arith.constant 16 : index
      %get3A_254 = tpu.vector_load %arg9[%get3A_252, %get3A_253] {strides = array<i32>} : memref<512x32xf32, #tpu.memory_space<vmem>>, vector<1x16xf32>,
      %get3A_255 = vector.shape_cast %get3A_254 : vector<1x16xf32> to vector<16xf32>
      %get3A_256 = arith.index_cast %add3A_242 : i32 to index
      %get3A_257 = arith.constant 16 : index
      %get3A_258 = tpu.vector_load %arg10[%get3A_256, %get3A_257] {strides = array<i32>} : memref<512x32xf32, #tpu.memory_space<vmem>>, vector<1x16xf32>,
      %get3A_259 = vector.shape_cast %get3A_258 : vector<1x16xf32> to vector<16xf32>
      %mul3A_260 = arith.mulf %get3A_255, %get3A_259 : vector<16xf32>
      %add3A_261 = arith.addf %mul3A_251, %mul3A_260 : vector<16xf32>
      %add3A_262 = arith.constant 6 : i32
      %add3A_263 = arith.addi %mul3A_136, %add3A_262 : i32
      %get3A_264 = arith.index_cast %add3A_263 : i32 to index
      %get3A_265 = arith.constant 0 : index
      %get3A_266 = tpu.vector_load %arg9[%get3A_264, %get3A_265] {strides = array<i32>} : memref<512x32xf32, #tpu.memory_space<vmem>>, vector<1x16xf32>,
      %get3A_267 = vector.shape_cast %get3A_266 : vector<1x16xf32> to vector<16xf32>
      %get3A_268 = arith.index_cast %add3A_263 : i32 to index
      %get3A_269 = arith.constant 0 : index
      %get3A_270 = tpu.vector_load %arg10[%get3A_268, %get3A_269] {strides = array<i32>} : memref<512x32xf32, #tpu.memory_space<vmem>>, vector<1x16xf32>,
      %get3A_271 = vector.shape_cast %get3A_270 : vector<1x16xf32> to vector<16xf32>
      %mul3A_272 = arith.mulf %get3A_267, %get3A_271 : vector<16xf32>
      %get3A_273 = arith.index_cast %add3A_263 : i32 to index
      %get3A_274 = arith.constant 16 : index
      %get3A_275 = tpu.vector_load %arg9[%get3A_273, %get3A_274] {strides = array<i32>} : memref<512x32xf32, #tpu.memory_space<vmem>>, vector<1x16xf32>,
      %get3A_276 = vector.shape_cast %get3A_275 : vector<1x16xf32> to vector<16xf32>
      %get3A_277 = arith.index_cast %add3A_263 : i32 to index
      %get3A_278 = arith.constant 16 : index
      %get3A_279 = tpu.vector_load %arg10[%get3A_277, %get3A_278] {strides = array<i32>} : memref<512x32xf32, #tpu.memory_space<vmem>>, vector<1x16xf32>,
      %get3A_280 = vector.shape_cast %get3A_279 : vector<1x16xf32> to vector<16xf32>
      %mul3A_281 = arith.mulf %get3A_276, %get3A_280 : vector<16xf32>
      %add3A_282 = arith.addf %mul3A_272, %mul3A_281 : vector<16xf32>
      %add3A_283 = arith.constant 7 : i32
      %add3A_284 = arith.addi %mul3A_136, %add3A_283 : i32
      %get3A_285 = arith.index_cast %add3A_284 : i32 to index
      %get3A_286 = arith.constant 0 : index
      %get3A_287 = tpu.vector_load %arg9[%get3A_285, %get3A_286] {strides = array<i32>} : memref<512x32xf32, #tpu.memory_space<vmem>>, vector<1x16xf32>,
      %get3A_288 = vector.shape_cast %get3A_287 : vector<1x16xf32> to vector<16xf32>
      %get3A_289 = arith.index_cast %add3A_284 : i32 to index
      %get3A_290 = arith.constant 0 : index
      %get3A_291 = tpu.vector_load %arg10[%get3A_289, %get3A_290] {strides = array<i32>} : memref<512x32xf32, #tpu.memory_space<vmem>>, vector<1x16xf32>,
      %get3A_292 = vector.shape_cast %get3A_291 : vector<1x16xf32> to vector<16xf32>
      %mul3A_293 = arith.mulf %get3A_288, %get3A_292 : vector<16xf32>
      %get3A_294 = arith.index_cast %add3A_284 : i32 to index
      %get3A_295 = arith.constant 16 : index
      %get3A_296 = tpu.vector_load %arg9[%get3A_294, %get3A_295] {strides = array<i32>} : memref<512x32xf32, #tpu.memory_space<vmem>>, vector<1x16xf32>,
      %get3A_297 = vector.shape_cast %get3A_296 : vector<1x16xf32> to vector<16xf32>
      %get3A_298 = arith.index_cast %add3A_284 : i32 to index
      %get3A_299 = arith.constant 16 : index
      %get3A_300 = tpu.vector_load %arg10[%get3A_298, %get3A_299] {strides = array<i32>} : memref<512x32xf32, #tpu.memory_space<vmem>>, vector<1x16xf32>,
      %get3A_301 = vector.shape_cast %get3A_300 : vector<1x16xf32> to vector<16xf32>
      %mul3A_302 = arith.mulf %get3A_297, %get3A_301 : vector<16xf32>
      %add3A_303 = arith.addf %mul3A_293, %mul3A_302 : vector<16xf32>
      %add3A_304 = arith.constant 8 : i32
      %add3A_305 = arith.addi %mul3A_136, %add3A_304 : i32
      %get3A_306 = arith.index_cast %add3A_305 : i32 to index
      %get3A_307 = arith.constant 0 : index
      %get3A_308 = tpu.vector_load %arg9[%get3A_306, %get3A_307] {strides = array<i32>} : memref<512x32xf32, #tpu.memory_space<vmem>>, vector<1x16xf32>,
      %get3A_309 = vector.shape_cast %get3A_308 : vector<1x16xf32> to vector<16xf32>
      %get3A_310 = arith.index_cast %add3A_305 : i32 to index
      %get3A_311 = arith.constant 0 : index
      %get3A_312 = tpu.vector_load %arg10[%get3A_310, %get3A_311] {strides = array<i32>} : memref<512x32xf32, #tpu.memory_space<vmem>>, vector<1x16xf32>,
      %get3A_313 = vector.shape_cast %get3A_312 : vector<1x16xf32> to vector<16xf32>
      %mul3A_314 = arith.mulf %get3A_309, %get3A_313 : vector<16xf32>
      %get3A_315 = arith.index_cast %add3A_305 : i32 to index
      %get3A_316 = arith.constant 16 : index
      %get3A_317 = tpu.vector_load %arg9[%get3A_315, %get3A_316] {strides = array<i32>} : memref<512x32xf32, #tpu.memory_space<vmem>>, vector<1x16xf32>,
      %get3A_318 = vector.shape_cast %get3A_317 : vector<1x16xf32> to vector<16xf32>
      %get3A_319 = arith.index_cast %add3A_305 : i32 to index
      %get3A_320 = arith.constant 16 : index
      %get3A_321 = tpu.vector_load %arg10[%get3A_319, %get3A_320] {strides = array<i32>} : memref<512x32xf32, #tpu.memory_space<vmem>>, vector<1x16xf32>,
      %get3A_322 = vector.shape_cast %get3A_321 : vector<1x16xf32> to vector<16xf32>
      %mul3A_323 = arith.mulf %get3A_318, %get3A_322 : vector<16xf32>
      %add3A_324 = arith.addf %mul3A_314, %mul3A_323 : vector<16xf32>
      %add3A_325 = arith.constant 9 : i32
      %add3A_326 = arith.addi %mul3A_136, %add3A_325 : i32
      %get3A_327 = arith.index_cast %add3A_326 : i32 to index
      %get3A_328 = arith.constant 0 : index
      %get3A_329 = tpu.vector_load %arg9[%get3A_327, %get3A_328] {strides = array<i32>} : memref<512x32xf32, #tpu.memory_space<vmem>>, vector<1x16xf32>,
      %get3A_330 = vector.shape_cast %get3A_329 : vector<1x16xf32> to vector<16xf32>
      %get3A_331 = arith.index_cast %add3A_326 : i32 to index
      %get3A_332 = arith.constant 0 : index
      %get3A_333 = tpu.vector_load %arg10[%get3A_331, %get3A_332] {strides = array<i32>} : memref<512x32xf32, #tpu.memory_space<vmem>>, vector<1x16xf32>,
      %get3A_334 = vector.shape_cast %get3A_333 : vector<1x16xf32> to vector<16xf32>
      %mul3A_335 = arith.mulf %get3A_330, %get3A_334 : vector<16xf32>
      %get3A_336 = arith.index_cast %add3A_326 : i32 to index
      %get3A_337 = arith.constant 16 : index
      %get3A_338 = tpu.vector_load %arg9[%get3A_336, %get3A_337] {strides = array<i32>} : memref<512x32xf32, #tpu.memory_space<vmem>>, vector<1x16xf32>,
      %get3A_339 = vector.shape_cast %get3A_338 : vector<1x16xf32> to vector<16xf32>
      %get3A_340 = arith.index_cast %add3A_326 : i32 to index
      %get3A_341 = arith.constant 16 : index
      %get3A_342 = tpu.vector_load %arg10[%get3A_340, %get3A_341] {strides = array<i32>} : memref<512x32xf32, #tpu.memory_space<vmem>>, vector<1x16xf32>,
      %get3A_343 = vector.shape_cast %get3A_342 : vector<1x16xf32> to vector<16xf32>
      %mul3A_344 = arith.mulf %get3A_339, %get3A_343 : vector<16xf32>
      %add3A_345 = arith.addf %mul3A_335, %mul3A_344 : vector<16xf32>
      %add3A_346 = arith.constant 10 : i32
      %add3A_347 = arith.addi %mul3A_136, %add3A_346 : i32
      %get3A_348 = arith.index_cast %add3A_347 : i32 to index
      %get3A_349 = arith.constant 0 : index
      %get3A_350 = tpu.vector_load %arg9[%get3A_348, %get3A_349] {strides = array<i32>} : memref<512x32xf32, #tpu.memory_space<vmem>>, vector<1x16xf32>,
      %get3A_351 = vector.shape_cast %get3A_350 : vector<1x16xf32> to vector<16xf32>
      %get3A_352 = arith.index_cast %add3A_347 : i32 to index
      %get3A_353 = arith.constant 0 : index
      %get3A_354 = tpu.vector_load %arg10[%get3A_352, %get3A_353] {strides = array<i32>} : memref<512x32xf32, #tpu.memory_space<vmem>>, vector<1x16xf32>,
      %get3A_355 = vector.shape_cast %get3A_354 : vector<1x16xf32> to vector<16xf32>
      %mul3A_356 = arith.mulf %get3A_351, %get3A_355 : vector<16xf32>
      %get3A_357 = arith.index_cast %add3A_347 : i32 to index
      %get3A_358 = arith.constant 16 : index
      %get3A_359 = tpu.vector_load %arg9[%get3A_357, %get3A_358] {strides = array<i32>} : memref<512x32xf32, #tpu.memory_space<vmem>>, vector<1x16xf32>,
      %get3A_360 = vector.shape_cast %get3A_359 : vector<1x16xf32> to vector<16xf32>
      %get3A_361 = arith.index_cast %add3A_347 : i32 to index
      %get3A_362 = arith.constant 16 : index
      %get3A_363 = tpu.vector_load %arg10[%get3A_361, %get3A_362] {strides = array<i32>} : memref<512x32xf32, #tpu.memory_space<vmem>>, vector<1x16xf32>,
      %get3A_364 = vector.shape_cast %get3A_363 : vector<1x16xf32> to vector<16xf32>
      %mul3A_365 = arith.mulf %get3A_360, %get3A_364 : vector<16xf32>
      %add3A_366 = arith.addf %mul3A_356, %mul3A_365 : vector<16xf32>
      %add3A_367 = arith.constant 11 : i32
      %add3A_368 = arith.addi %mul3A_136, %add3A_367 : i32
      %get3A_369 = arith.index_cast %add3A_368 : i32 to index
      %get3A_370 = arith.constant 0 : index
      %get3A_371 = tpu.vector_load %arg9[%get3A_369, %get3A_370] {strides = array<i32>} : memref<512x32xf32, #tpu.memory_space<vmem>>, vector<1x16xf32>,
      %get3A_372 = vector.shape_cast %get3A_371 : vector<1x16xf32> to vector<16xf32>
      %get3A_373 = arith.index_cast %add3A_368 : i32 to index
      %get3A_374 = arith.constant 0 : index
      %get3A_375 = tpu.vector_load %arg10[%get3A_373, %get3A_374] {strides = array<i32>} : memref<512x32xf32, #tpu.memory_space<vmem>>, vector<1x16xf32>,
      %get3A_376 = vector.shape_cast %get3A_375 : vector<1x16xf32> to vector<16xf32>
      %mul3A_377 = arith.mulf %get3A_372, %get3A_376 : vector<16xf32>
      %get3A_378 = arith.index_cast %add3A_368 : i32 to index
      %get3A_379 = arith.constant 16 : index
      %get3A_380 = tpu.vector_load %arg9[%get3A_378, %get3A_379] {strides = array<i32>} : memref<512x32xf32, #tpu.memory_space<vmem>>, vector<1x16xf32>,
      %get3A_381 = vector.shape_cast %get3A_380 : vector<1x16xf32> to vector<16xf32>
      %get3A_382 = arith.index_cast %add3A_368 : i32 to index
      %get3A_383 = arith.constant 16 : index
      %get3A_384 = tpu.vector_load %arg10[%get3A_382, %get3A_383] {strides = array<i32>} : memref<512x32xf32, #tpu.memory_space<vmem>>, vector<1x16xf32>,
      %get3A_385 = vector.shape_cast %get3A_384 : vector<1x16xf32> to vector<16xf32>
      %mul3A_386 = arith.mulf %get3A_381, %get3A_385 : vector<16xf32>
      %add3A_387 = arith.addf %mul3A_377, %mul3A_386 : vector<16xf32>
      %add3A_388 = arith.constant 12 : i32
      %add3A_389 = arith.addi %mul3A_136, %add3A_388 : i32
      %get3A_390 = arith.index_cast %add3A_389 : i32 to index
      %get3A_391 = arith.constant 0 : index
      %get3A_392 = tpu.vector_load %arg9[%get3A_390, %get3A_391] {strides = array<i32>} : memref<512x32xf32, #tpu.memory_space<vmem>>, vector<1x16xf32>,
      %get3A_393 = vector.shape_cast %get3A_392 : vector<1x16xf32> to vector<16xf32>
      %get3A_394 = arith.index_cast %add3A_389 : i32 to index
      %get3A_395 = arith.constant 0 : index
      %get3A_396 = tpu.vector_load %arg10[%get3A_394, %get3A_395] {strides = array<i32>} : memref<512x32xf32, #tpu.memory_space<vmem>>, vector<1x16xf32>,
      %get3A_397 = vector.shape_cast %get3A_396 : vector<1x16xf32> to vector<16xf32>
      %mul3A_398 = arith.mulf %get3A_393, %get3A_397 : vector<16xf32>
      %get3A_399 = arith.index_cast %add3A_389 : i32 to index
      %get3A_400 = arith.constant 16 : index
      %get3A_401 = tpu.vector_load %arg9[%get3A_399, %get3A_400] {strides = array<i32>} : memref<512x32xf32, #tpu.memory_space<vmem>>, vector<1x16xf32>,
      %get3A_402 = vector.shape_cast %get3A_401 : vector<1x16xf32> to vector<16xf32>
      %get3A_403 = arith.index_cast %add3A_389 : i32 to index
      %get3A_404 = arith.constant 16 : index
      %get3A_405 = tpu.vector_load %arg10[%get3A_403, %get3A_404] {strides = array<i32>} : memref<512x32xf32, #tpu.memory_space<vmem>>, vector<1x16xf32>,
      %get3A_406 = vector.shape_cast %get3A_405 : vector<1x16xf32> to vector<16xf32>
      %mul3A_407 = arith.mulf %get3A_402, %get3A_406 : vector<16xf32>
      %add3A_408 = arith.addf %mul3A_398, %mul3A_407 : vector<16xf32>
      %add3A_409 = arith.constant 13 : i32
      %add3A_410 = arith.addi %mul3A_136, %add3A_409 : i32
      %get3A_411 = arith.index_cast %add3A_410 : i32 to index
      %get3A_412 = arith.constant 0 : index
      %get3A_413 = tpu.vector_load %arg9[%get3A_411, %get3A_412] {strides = array<i32>} : memref<512x32xf32, #tpu.memory_space<vmem>>, vector<1x16xf32>,
      %get3A_414 = vector.shape_cast %get3A_413 : vector<1x16xf32> to vector<16xf32>
      %get3A_415 = arith.index_cast %add3A_410 : i32 to index
      %get3A_416 = arith.constant 0 : index
      %get3A_417 = tpu.vector_load %arg10[%get3A_415, %get3A_416] {strides = array<i32>} : memref<512x32xf32, #tpu.memory_space<vmem>>, vector<1x16xf32>,
      %get3A_418 = vector.shape_cast %get3A_417 : vector<1x16xf32> to vector<16xf32>
      %mul3A_419 = arith.mulf %get3A_414, %get3A_418 : vector<16xf32>
      %get3A_420 = arith.index_cast %add3A_410 : i32 to index
      %get3A_421 = arith.constant 16 : index
      %get3A_422 = tpu.vector_load %arg9[%get3A_420, %get3A_421] {strides = array<i32>} : memref<512x32xf32, #tpu.memory_space<vmem>>, vector<1x16xf32>,
      %get3A_423 = vector.shape_cast %get3A_422 : vector<1x16xf32> to vector<16xf32>
      %get3A_424 = arith.index_cast %add3A_410 : i32 to index
      %get3A_425 = arith.constant 16 : index
      %get3A_426 = tpu.vector_load %arg10[%get3A_424, %get3A_425] {strides = array<i32>} : memref<512x32xf32, #tpu.memory_space<vmem>>, vector<1x16xf32>,
      %get3A_427 = vector.shape_cast %get3A_426 : vector<1x16xf32> to vector<16xf32>
      %mul3A_428 = arith.mulf %get3A_423, %get3A_427 : vector<16xf32>
      %add3A_429 = arith.addf %mul3A_419, %mul3A_428 : vector<16xf32>
      %add3A_430 = arith.constant 14 : i32
      %add3A_431 = arith.addi %mul3A_136, %add3A_430 : i32
      %get3A_432 = arith.index_cast %add3A_431 : i32 to index
      %get3A_433 = arith.constant 0 : index
      %get3A_434 = tpu.vector_load %arg9[%get3A_432, %get3A_433] {strides = array<i32>} : memref<512x32xf32, #tpu.memory_space<vmem>>, vector<1x16xf32>,
      %get3A_435 = vector.shape_cast %get3A_434 : vector<1x16xf32> to vector<16xf32>
      %get3A_436 = arith.index_cast %add3A_431 : i32 to index
      %get3A_437 = arith.constant 0 : index
      %get3A_438 = tpu.vector_load %arg10[%get3A_436, %get3A_437] {strides = array<i32>} : memref<512x32xf32, #tpu.memory_space<vmem>>, vector<1x16xf32>,
      %get3A_439 = vector.shape_cast %get3A_438 : vector<1x16xf32> to vector<16xf32>
      %mul3A_440 = arith.mulf %get3A_435, %get3A_439 : vector<16xf32>
      %get3A_441 = arith.index_cast %add3A_431 : i32 to index
      %get3A_442 = arith.constant 16 : index
      %get3A_443 = tpu.vector_load %arg9[%get3A_441, %get3A_442] {strides = array<i32>} : memref<512x32xf32, #tpu.memory_space<vmem>>, vector<1x16xf32>,
      %get3A_444 = vector.shape_cast %get3A_443 : vector<1x16xf32> to vector<16xf32>
      %get3A_445 = arith.index_cast %add3A_431 : i32 to index
      %get3A_446 = arith.constant 16 : index
      %get3A_447 = tpu.vector_load %arg10[%get3A_445, %get3A_446] {strides = array<i32>} : memref<512x32xf32, #tpu.memory_space<vmem>>, vector<1x16xf32>,
      %get3A_448 = vector.shape_cast %get3A_447 : vector<1x16xf32> to vector<16xf32>
      %mul3A_449 = arith.mulf %get3A_444, %get3A_448 : vector<16xf32>
      %add3A_450 = arith.addf %mul3A_440, %mul3A_449 : vector<16xf32>
      %add3A_451 = arith.constant 15 : i32
      %add3A_452 = arith.addi %mul3A_136, %add3A_451 : i32
      %get3A_453 = arith.index_cast %add3A_452 : i32 to index
      %get3A_454 = arith.constant 0 : index
      %get3A_455 = tpu.vector_load %arg9[%get3A_453, %get3A_454] {strides = array<i32>} : memref<512x32xf32, #tpu.memory_space<vmem>>, vector<1x16xf32>,
      %get3A_456 = vector.shape_cast %get3A_455 : vector<1x16xf32> to vector<16xf32>
      %get3A_457 = arith.index_cast %add3A_452 : i32 to index
      %get3A_458 = arith.constant 0 : index
      %get3A_459 = tpu.vector_load %arg10[%get3A_457, %get3A_458] {strides = array<i32>} : memref<512x32xf32, #tpu.memory_space<vmem>>, vector<1x16xf32>,
      %get3A_460 = vector.shape_cast %get3A_459 : vector<1x16xf32> to vector<16xf32>
      %mul3A_461 = arith.mulf %get3A_456, %get3A_460 : vector<16xf32>
      %get3A_462 = arith.index_cast %add3A_452 : i32 to index
      %get3A_463 = arith.constant 16 : index
      %get3A_464 = tpu.vector_load %arg9[%get3A_462, %get3A_463] {strides = array<i32>} : memref<512x32xf32, #tpu.memory_space<vmem>>, vector<1x16xf32>,
      %get3A_465 = vector.shape_cast %get3A_464 : vector<1x16xf32> to vector<16xf32>
      %get3A_466 = arith.index_cast %add3A_452 : i32 to index
      %get3A_467 = arith.constant 16 : index
      %get3A_468 = tpu.vector_load %arg10[%get3A_466, %get3A_467] {strides = array<i32>} : memref<512x32xf32, #tpu.memory_space<vmem>>, vector<1x16xf32>,
      %get3A_469 = vector.shape_cast %get3A_468 : vector<1x16xf32> to vector<16xf32>
      %mul3A_470 = arith.mulf %get3A_465, %get3A_469 : vector<16xf32>
      %add3A_471 = arith.addf %mul3A_461, %mul3A_470 : vector<16xf32>
      %xor3A = arith.constant 8 : i32
      %xor3A_472 = vector.broadcast %xor3A : i32 to vector<16xi32>
      %xor3A_473 = arith.xori %iota3A, %xor3A_472 : vector<16xi32>
      %lt3A = arith.constant 0 : i32
      %lt3A_474 = vector.broadcast %lt3A : i32 to vector<16xi32>
      %lt3A_475 = arith.cmpi slt, %xor3A_473, %lt3A_474 : vector<16xi32>
      %add3A_476 = arith.constant 16 : i32
      %add3A_477 = vector.broadcast %add3A_476 : i32 to vector<16xi32>
      %add3A_478 = arith.addi %xor3A_473, %add3A_477 : vector<16xi32>
      %select_n3A = arith.select %lt3A_475, %add3A_478, %xor3A_473 : vector<16xi1>, vector<16xi32>
      %broadcast_in_dim3A = vector.shape_cast %select_n3A : vector<16xi32> to vector<16x1xi32>
      %gather3A = vector.shape_cast %broadcast_in_dim3A : vector<16x1xi32> to vector<16xi32>
      %gather3A_479 = tpu.dynamic_gather %add3A_156[%gather3A] in [0] : vector<16xf32>, vector<16xi32> -> vector<16xf32>
      %add3A_480 = arith.addf %add3A_156, %gather3A_479 : vector<16xf32>
      %lt3A_481 = arith.constant 0 : i32
      %lt3A_482 = vector.broadcast %lt3A_481 : i32 to vector<16xi32>
      %lt3A_483 = arith.cmpi slt, %xor3A_473, %lt3A_482 : vector<16xi32>
      %add3A_484 = arith.constant 16 : i32
      %add3A_485 = vector.broadcast %add3A_484 : i32 to vector<16xi32>
      %add3A_486 = arith.addi %xor3A_473, %add3A_485 : vector<16xi32>
      %select_n3A_487 = arith.select %lt3A_483, %add3A_486, %xor3A_473 : vector<16xi1>, vector<16xi32>
      %broadcast_in_dim3A_488 = vector.shape_cast %select_n3A_487 : vector<16xi32> to vector<16x1xi32>
      %gather3A_489 = vector.shape_cast %broadcast_in_dim3A_488 : vector<16x1xi32> to vector<16xi32>
      %gather3A_490 = tpu.dynamic_gather %add3A_324[%gather3A_489] in [0] : vector<16xf32>, vector<16xi32> -> vector<16xf32>
      %add3A_491 = arith.addf %add3A_324, %gather3A_490 : vector<16xf32>
      %and3A = arith.constant 8 : i32
      %and3A_492 = vector.broadcast %and3A : i32 to vector<16xi32>
      %and3A_493 = arith.andi %iota3A, %and3A_492 : vector<16xi32>
      %eq3A = arith.constant 0 : i32
      %eq3A_494 = vector.broadcast %eq3A : i32 to vector<16xi32>
      %eq3A_495 = arith.cmpi eq, %and3A_493, %eq3A_494 : vector<16xi32>
      %lt3A_496 = arith.constant 0 : i32
      %lt3A_497 = vector.broadcast %lt3A_496 : i32 to vector<16xi32>
      %lt3A_498 = arith.cmpi slt, %xor3A_473, %lt3A_497 : vector<16xi32>
      %add3A_499 = arith.constant 16 : i32
      %add3A_500 = vector.broadcast %add3A_499 : i32 to vector<16xi32>
      %add3A_501 = arith.addi %xor3A_473, %add3A_500 : vector<16xi32>
      %select_n3A_502 = arith.select %lt3A_498, %add3A_501, %xor3A_473 : vector<16xi1>, vector<16xi32>
      %broadcast_in_dim3A_503 = vector.shape_cast %select_n3A_502 : vector<16xi32> to vector<16x1xi32>
      %gather3A_504 = vector.shape_cast %broadcast_in_dim3A_503 : vector<16x1xi32> to vector<16xi32>
      %gather3A_505 = tpu.dynamic_gather %add3A_491[%gather3A_504] in [0] : vector<16xf32>, vector<16xi32> -> vector<16xf32>
      %select_n3A_506 = arith.select %eq3A_495, %add3A_480, %gather3A_505 : vector<16xi1>, vector<16xf32>
      %xor3A_507 = arith.constant 8 : i32
      %xor3A_508 = vector.broadcast %xor3A_507 : i32 to vector<16xi32>
      %xor3A_509 = arith.xori %iota3A, %xor3A_508 : vector<16xi32>
      %lt3A_510 = arith.constant 0 : i32
      %lt3A_511 = vector.broadcast %lt3A_510 : i32 to vector<16xi32>
      %lt3A_512 = arith.cmpi slt, %xor3A_509, %lt3A_511 : vector<16xi32>
      %add3A_513 = arith.constant 16 : i32
      %add3A_514 = vector.broadcast %add3A_513 : i32 to vector<16xi32>
      %add3A_515 = arith.addi %xor3A_509, %add3A_514 : vector<16xi32>
      %select_n3A_516 = arith.select %lt3A_512, %add3A_515, %xor3A_509 : vector<16xi1>, vector<16xi32>
      %broadcast_in_dim3A_517 = vector.shape_cast %select_n3A_516 : vector<16xi32> to vector<16x1xi32>
      %gather3A_518 = vector.shape_cast %broadcast_in_dim3A_517 : vector<16x1xi32> to vector<16xi32>
      %gather3A_519 = tpu.dynamic_gather %add3A_177[%gather3A_518] in [0] : vector<16xf32>, vector<16xi32> -> vector<16xf32>
      %add3A_520 = arith.addf %add3A_177, %gather3A_519 : vector<16xf32>
      %lt3A_521 = arith.constant 0 : i32
      %lt3A_522 = vector.broadcast %lt3A_521 : i32 to vector<16xi32>
      %lt3A_523 = arith.cmpi slt, %xor3A_509, %lt3A_522 : vector<16xi32>
      %add3A_524 = arith.constant 16 : i32
      %add3A_525 = vector.broadcast %add3A_524 : i32 to vector<16xi32>
      %add3A_526 = arith.addi %xor3A_509, %add3A_525 : vector<16xi32>
      %select_n3A_527 = arith.select %lt3A_523, %add3A_526, %xor3A_509 : vector<16xi1>, vector<16xi32>
      %broadcast_in_dim3A_528 = vector.shape_cast %select_n3A_527 : vector<16xi32> to vector<16x1xi32>
      %gather3A_529 = vector.shape_cast %broadcast_in_dim3A_528 : vector<16x1xi32> to vector<16xi32>
      %gather3A_530 = tpu.dynamic_gather %add3A_345[%gather3A_529] in [0] : vector<16xf32>, vector<16xi32> -> vector<16xf32>
      %add3A_531 = arith.addf %add3A_345, %gather3A_530 : vector<16xf32>
      %and3A_532 = arith.constant 8 : i32
      %and3A_533 = vector.broadcast %and3A_532 : i32 to vector<16xi32>
      %and3A_534 = arith.andi %iota3A, %and3A_533 : vector<16xi32>
      %eq3A_535 = arith.constant 0 : i32
      %eq3A_536 = vector.broadcast %eq3A_535 : i32 to vector<16xi32>
      %eq3A_537 = arith.cmpi eq, %and3A_534, %eq3A_536 : vector<16xi32>
      %lt3A_538 = arith.constant 0 : i32
      %lt3A_539 = vector.broadcast %lt3A_538 : i32 to vector<16xi32>
      %lt3A_540 = arith.cmpi slt, %xor3A_509, %lt3A_539 : vector<16xi32>
      %add3A_541 = arith.constant 16 : i32
      %add3A_542 = vector.broadcast %add3A_541 : i32 to vector<16xi32>
      %add3A_543 = arith.addi %xor3A_509, %add3A_542 : vector<16xi32>
      %select_n3A_544 = arith.select %lt3A_540, %add3A_543, %xor3A_509 : vector<16xi1>, vector<16xi32>
      %broadcast_in_dim3A_545 = vector.shape_cast %select_n3A_544 : vector<16xi32> to vector<16x1xi32>
      %gather3A_546 = vector.shape_cast %broadcast_in_dim3A_545 : vector<16x1xi32> to vector<16xi32>
      %gather3A_547 = tpu.dynamic_gather %add3A_531[%gather3A_546] in [0] : vector<16xf32>, vector<16xi32> -> vector<16xf32>
      %select_n3A_548 = arith.select %eq3A_537, %add3A_520, %gather3A_547 : vector<16xi1>, vector<16xf32>
      %xor3A_549 = arith.constant 8 : i32
      %xor3A_550 = vector.broadcast %xor3A_549 : i32 to vector<16xi32>
      %xor3A_551 = arith.xori %iota3A, %xor3A_550 : vector<16xi32>
      %lt3A_552 = arith.constant 0 : i32
      %lt3A_553 = vector.broadcast %lt3A_552 : i32 to vector<16xi32>
      %lt3A_554 = arith.cmpi slt, %xor3A_551, %lt3A_553 : vector<16xi32>
      %add3A_555 = arith.constant 16 : i32
      %add3A_556 = vector.broadcast %add3A_555 : i32 to vector<16xi32>
      %add3A_557 = arith.addi %xor3A_551, %add3A_556 : vector<16xi32>
      %select_n3A_558 = arith.select %lt3A_554, %add3A_557, %xor3A_551 : vector<16xi1>, vector<16xi32>
      %broadcast_in_dim3A_559 = vector.shape_cast %select_n3A_558 : vector<16xi32> to vector<16x1xi32>
      %gather3A_560 = vector.shape_cast %broadcast_in_dim3A_559 : vector<16x1xi32> to vector<16xi32>
      %gather3A_561 = tpu.dynamic_gather %add3A_198[%gather3A_560] in [0] : vector<16xf32>, vector<16xi32> -> vector<16xf32>
      %add3A_562 = arith.addf %add3A_198, %gather3A_561 : vector<16xf32>
      %lt3A_563 = arith.constant 0 : i32
      %lt3A_564 = vector.broadcast %lt3A_563 : i32 to vector<16xi32>
      %lt3A_565 = arith.cmpi slt, %xor3A_551, %lt3A_564 : vector<16xi32>
      %add3A_566 = arith.constant 16 : i32
      %add3A_567 = vector.broadcast %add3A_566 : i32 to vector<16xi32>
      %add3A_568 = arith.addi %xor3A_551, %add3A_567 : vector<16xi32>
      %select_n3A_569 = arith.select %lt3A_565, %add3A_568, %xor3A_551 : vector<16xi1>, vector<16xi32>
      %broadcast_in_dim3A_570 = vector.shape_cast %select_n3A_569 : vector<16xi32> to vector<16x1xi32>
      %gather3A_571 = vector.shape_cast %broadcast_in_dim3A_570 : vector<16x1xi32> to vector<16xi32>
      %gather3A_572 = tpu.dynamic_gather %add3A_366[%gather3A_571] in [0] : vector<16xf32>, vector<16xi32> -> vector<16xf32>
      %add3A_573 = arith.addf %add3A_366, %gather3A_572 : vector<16xf32>
      %and3A_574 = arith.constant 8 : i32
      %and3A_575 = vector.broadcast %and3A_574 : i32 to vector<16xi32>
      %and3A_576 = arith.andi %iota3A, %and3A_575 : vector<16xi32>
      %eq3A_577 = arith.constant 0 : i32
      %eq3A_578 = vector.broadcast %eq3A_577 : i32 to vector<16xi32>
      %eq3A_579 = arith.cmpi eq, %and3A_576, %eq3A_578 : vector<16xi32>
      %lt3A_580 = arith.constant 0 : i32
      %lt3A_581 = vector.broadcast %lt3A_580 : i32 to vector<16xi32>
      %lt3A_582 = arith.cmpi slt, %xor3A_551, %lt3A_581 : vector<16xi32>
      %add3A_583 = arith.constant 16 : i32
      %add3A_584 = vector.broadcast %add3A_583 : i32 to vector<16xi32>
      %add3A_585 = arith.addi %xor3A_551, %add3A_584 : vector<16xi32>
      %select_n3A_586 = arith.select %lt3A_582, %add3A_585, %xor3A_551 : vector<16xi1>, vector<16xi32>
      %broadcast_in_dim3A_587 = vector.shape_cast %select_n3A_586 : vector<16xi32> to vector<16x1xi32>
      %gather3A_588 = vector.shape_cast %broadcast_in_dim3A_587 : vector<16x1xi32> to vector<16xi32>
      %gather3A_589 = tpu.dynamic_gather %add3A_573[%gather3A_588] in [0] : vector<16xf32>, vector<16xi32> -> vector<16xf32>
      %select_n3A_590 = arith.select %eq3A_579, %add3A_562, %gather3A_589 : vector<16xi1>, vector<16xf32>
      %xor3A_591 = arith.constant 8 : i32
      %xor3A_592 = vector.broadcast %xor3A_591 : i32 to vector<16xi32>
      %xor3A_593 = arith.xori %iota3A, %xor3A_592 : vector<16xi32>
      %lt3A_594 = arith.constant 0 : i32
      %lt3A_595 = vector.broadcast %lt3A_594 : i32 to vector<16xi32>
      %lt3A_596 = arith.cmpi slt, %xor3A_593, %lt3A_595 : vector<16xi32>
      %add3A_597 = arith.constant 16 : i32
      %add3A_598 = vector.broadcast %add3A_597 : i32 to vector<16xi32>
      %add3A_599 = arith.addi %xor3A_593, %add3A_598 : vector<16xi32>
      %select_n3A_600 = arith.select %lt3A_596, %add3A_599, %xor3A_593 : vector<16xi1>, vector<16xi32>
      %broadcast_in_dim3A_601 = vector.shape_cast %select_n3A_600 : vector<16xi32> to vector<16x1xi32>
      %gather3A_602 = vector.shape_cast %broadcast_in_dim3A_601 : vector<16x1xi32> to vector<16xi32>
      %gather3A_603 = tpu.dynamic_gather %add3A_219[%gather3A_602] in [0] : vector<16xf32>, vector<16xi32> -> vector<16xf32>
      %add3A_604 = arith.addf %add3A_219, %gather3A_603 : vector<16xf32>
      %lt3A_605 = arith.constant 0 : i32
      %lt3A_606 = vector.broadcast %lt3A_605 : i32 to vector<16xi32>
      %lt3A_607 = arith.cmpi slt, %xor3A_593, %lt3A_606 : vector<16xi32>
      %add3A_608 = arith.constant 16 : i32
      %add3A_609 = vector.broadcast %add3A_608 : i32 to vector<16xi32>
      %add3A_610 = arith.addi %xor3A_593, %add3A_609 : vector<16xi32>
      %select_n3A_611 = arith.select %lt3A_607, %add3A_610, %xor3A_593 : vector<16xi1>, vector<16xi32>
      %broadcast_in_dim3A_612 = vector.shape_cast %select_n3A_611 : vector<16xi32> to vector<16x1xi32>
      %gather3A_613 = vector.shape_cast %broadcast_in_dim3A_612 : vector<16x1xi32> to vector<16xi32>
      %gather3A_614 = tpu.dynamic_gather %add3A_387[%gather3A_613] in [0] : vector<16xf32>, vector<16xi32> -> vector<16xf32>
      %add3A_615 = arith.addf %add3A_387, %gather3A_614 : vector<16xf32>
      %and3A_616 = arith.constant 8 : i32
      %and3A_617 = vector.broadcast %and3A_616 : i32 to vector<16xi32>
      %and3A_618 = arith.andi %iota3A, %and3A_617 : vector<16xi32>
      %eq3A_619 = arith.constant 0 : i32
      %eq3A_620 = vector.broadcast %eq3A_619 : i32 to vector<16xi32>
      %eq3A_621 = arith.cmpi eq, %and3A_618, %eq3A_620 : vector<16xi32>
      %lt3A_622 = arith.constant 0 : i32
      %lt3A_623 = vector.broadcast %lt3A_622 : i32 to vector<16xi32>
      %lt3A_624 = arith.cmpi slt, %xor3A_593, %lt3A_623 : vector<16xi32>
      %add3A_625 = arith.constant 16 : i32
      %add3A_626 = vector.broadcast %add3A_625 : i32 to vector<16xi32>
      %add3A_627 = arith.addi %xor3A_593, %add3A_626 : vector<16xi32>
      %select_n3A_628 = arith.select %lt3A_624, %add3A_627, %xor3A_593 : vector<16xi1>, vector<16xi32>
      %broadcast_in_dim3A_629 = vector.shape_cast %select_n3A_628 : vector<16xi32> to vector<16x1xi32>
      %gather3A_630 = vector.shape_cast %broadcast_in_dim3A_629 : vector<16x1xi32> to vector<16xi32>
      %gather3A_631 = tpu.dynamic_gather %add3A_615[%gather3A_630] in [0] : vector<16xf32>, vector<16xi32> -> vector<16xf32>
      %select_n3A_632 = arith.select %eq3A_621, %add3A_604, %gather3A_631 : vector<16xi1>, vector<16xf32>
      %xor3A_633 = arith.constant 8 : i32
      %xor3A_634 = vector.broadcast %xor3A_633 : i32 to vector<16xi32>
      %xor3A_635 = arith.xori %iota3A, %xor3A_634 : vector<16xi32>
      %lt3A_636 = arith.constant 0 : i32
      %lt3A_637 = vector.broadcast %lt3A_636 : i32 to vector<16xi32>
      %lt3A_638 = arith.cmpi slt, %xor3A_635, %lt3A_637 : vector<16xi32>
      %add3A_639 = arith.constant 16 : i32
      %add3A_640 = vector.broadcast %add3A_639 : i32 to vector<16xi32>
      %add3A_641 = arith.addi %xor3A_635, %add3A_640 : vector<16xi32>
      %select_n3A_642 = arith.select %lt3A_638, %add3A_641, %xor3A_635 : vector<16xi1>, vector<16xi32>
      %broadcast_in_dim3A_643 = vector.shape_cast %select_n3A_642 : vector<16xi32> to vector<16x1xi32>
      %gather3A_644 = vector.shape_cast %broadcast_in_dim3A_643 : vector<16x1xi32> to vector<16xi32>
      %gather3A_645 = tpu.dynamic_gather %add3A_240[%gather3A_644] in [0] : vector<16xf32>, vector<16xi32> -> vector<16xf32>
      %add3A_646 = arith.addf %add3A_240, %gather3A_645 : vector<16xf32>
      %lt3A_647 = arith.constant 0 : i32
      %lt3A_648 = vector.broadcast %lt3A_647 : i32 to vector<16xi32>
      %lt3A_649 = arith.cmpi slt, %xor3A_635, %lt3A_648 : vector<16xi32>
      %add3A_650 = arith.constant 16 : i32
      %add3A_651 = vector.broadcast %add3A_650 : i32 to vector<16xi32>
      %add3A_652 = arith.addi %xor3A_635, %add3A_651 : vector<16xi32>
      %select_n3A_653 = arith.select %lt3A_649, %add3A_652, %xor3A_635 : vector<16xi1>, vector<16xi32>
      %broadcast_in_dim3A_654 = vector.shape_cast %select_n3A_653 : vector<16xi32> to vector<16x1xi32>
      %gather3A_655 = vector.shape_cast %broadcast_in_dim3A_654 : vector<16x1xi32> to vector<16xi32>
      %gather3A_656 = tpu.dynamic_gather %add3A_408[%gather3A_655] in [0] : vector<16xf32>, vector<16xi32> -> vector<16xf32>
      %add3A_657 = arith.addf %add3A_408, %gather3A_656 : vector<16xf32>
      %and3A_658 = arith.constant 8 : i32
      %and3A_659 = vector.broadcast %and3A_658 : i32 to vector<16xi32>
      %and3A_660 = arith.andi %iota3A, %and3A_659 : vector<16xi32>
      %eq3A_661 = arith.constant 0 : i32
      %eq3A_662 = vector.broadcast %eq3A_661 : i32 to vector<16xi32>
      %eq3A_663 = arith.cmpi eq, %and3A_660, %eq3A_662 : vector<16xi32>
      %lt3A_664 = arith.constant 0 : i32
      %lt3A_665 = vector.broadcast %lt3A_664 : i32 to vector<16xi32>
      %lt3A_666 = arith.cmpi slt, %xor3A_635, %lt3A_665 : vector<16xi32>
      %add3A_667 = arith.constant 16 : i32
      %add3A_668 = vector.broadcast %add3A_667 : i32 to vector<16xi32>
      %add3A_669 = arith.addi %xor3A_635, %add3A_668 : vector<16xi32>
      %select_n3A_670 = arith.select %lt3A_666, %add3A_669, %xor3A_635 : vector<16xi1>, vector<16xi32>
      %broadcast_in_dim3A_671 = vector.shape_cast %select_n3A_670 : vector<16xi32> to vector<16x1xi32>
      %gather3A_672 = vector.shape_cast %broadcast_in_dim3A_671 : vector<16x1xi32> to vector<16xi32>
      %gather3A_673 = tpu.dynamic_gather %add3A_657[%gather3A_672] in [0] : vector<16xf32>, vector<16xi32> -> vector<16xf32>
      %select_n3A_674 = arith.select %eq3A_663, %add3A_646, %gather3A_673 : vector<16xi1>, vector<16xf32>
      %xor3A_675 = arith.constant 8 : i32
      %xor3A_676 = vector.broadcast %xor3A_675 : i32 to vector<16xi32>
      %xor3A_677 = arith.xori %iota3A, %xor3A_676 : vector<16xi32>
      %lt3A_678 = arith.constant 0 : i32
      %lt3A_679 = vector.broadcast %lt3A_678 : i32 to vector<16xi32>
      %lt3A_680 = arith.cmpi slt, %xor3A_677, %lt3A_679 : vector<16xi32>
      %add3A_681 = arith.constant 16 : i32
      %add3A_682 = vector.broadcast %add3A_681 : i32 to vector<16xi32>
      %add3A_683 = arith.addi %xor3A_677, %add3A_682 : vector<16xi32>
      %select_n3A_684 = arith.select %lt3A_680, %add3A_683, %xor3A_677 : vector<16xi1>, vector<16xi32>
      %broadcast_in_dim3A_685 = vector.shape_cast %select_n3A_684 : vector<16xi32> to vector<16x1xi32>
      %gather3A_686 = vector.shape_cast %broadcast_in_dim3A_685 : vector<16x1xi32> to vector<16xi32>
      %gather3A_687 = tpu.dynamic_gather %add3A_261[%gather3A_686] in [0] : vector<16xf32>, vector<16xi32> -> vector<16xf32>
      %add3A_688 = arith.addf %add3A_261, %gather3A_687 : vector<16xf32>
      %lt3A_689 = arith.constant 0 : i32
      %lt3A_690 = vector.broadcast %lt3A_689 : i32 to vector<16xi32>
      %lt3A_691 = arith.cmpi slt, %xor3A_677, %lt3A_690 : vector<16xi32>
      %add3A_692 = arith.constant 16 : i32
      %add3A_693 = vector.broadcast %add3A_692 : i32 to vector<16xi32>
      %add3A_694 = arith.addi %xor3A_677, %add3A_693 : vector<16xi32>
      %select_n3A_695 = arith.select %lt3A_691, %add3A_694, %xor3A_677 : vector<16xi1>, vector<16xi32>
      %broadcast_in_dim3A_696 = vector.shape_cast %select_n3A_695 : vector<16xi32> to vector<16x1xi32>
      %gather3A_697 = vector.shape_cast %broadcast_in_dim3A_696 : vector<16x1xi32> to vector<16xi32>
      %gather3A_698 = tpu.dynamic_gather %add3A_429[%gather3A_697] in [0] : vector<16xf32>, vector<16xi32> -> vector<16xf32>
      %add3A_699 = arith.addf %add3A_429, %gather3A_698 : vector<16xf32>
      %and3A_700 = arith.constant 8 : i32
      %and3A_701 = vector.broadcast %and3A_700 : i32 to vector<16xi32>
      %and3A_702 = arith.andi %iota3A, %and3A_701 : vector<16xi32>
      %eq3A_703 = arith.constant 0 : i32
      %eq3A_704 = vector.broadcast %eq3A_703 : i32 to vector<16xi32>
      %eq3A_705 = arith.cmpi eq, %and3A_702, %eq3A_704 : vector<16xi32>
      %lt3A_706 = arith.constant 0 : i32
      %lt3A_707 = vector.broadcast %lt3A_706 : i32 to vector<16xi32>
      %lt3A_708 = arith.cmpi slt, %xor3A_677, %lt3A_707 : vector<16xi32>
      %add3A_709 = arith.constant 16 : i32
      %add3A_710 = vector.broadcast %add3A_709 : i32 to vector<16xi32>
      %add3A_711 = arith.addi %xor3A_677, %add3A_710 : vector<16xi32>
      %select_n3A_712 = arith.select %lt3A_708, %add3A_711, %xor3A_677 : vector<16xi1>, vector<16xi32>
      %broadcast_in_dim3A_713 = vector.shape_cast %select_n3A_712 : vector<16xi32> to vector<16x1xi32>
      %gather3A_714 = vector.shape_cast %broadcast_in_dim3A_713 : vector<16x1xi32> to vector<16xi32>
      %gather3A_715 = tpu.dynamic_gather %add3A_699[%gather3A_714] in [0] : vector<16xf32>, vector<16xi32> -> vector<16xf32>
      %select_n3A_716 = arith.select %eq3A_705, %add3A_688, %gather3A_715 : vector<16xi1>, vector<16xf32>
      %xor3A_717 = arith.constant 8 : i32
      %xor3A_718 = vector.broadcast %xor3A_717 : i32 to vector<16xi32>
      %xor3A_719 = arith.xori %iota3A, %xor3A_718 : vector<16xi32>
      %lt3A_720 = arith.constant 0 : i32
      %lt3A_721 = vector.broadcast %lt3A_720 : i32 to vector<16xi32>
      %lt3A_722 = arith.cmpi slt, %xor3A_719, %lt3A_721 : vector<16xi32>
      %add3A_723 = arith.constant 16 : i32
      %add3A_724 = vector.broadcast %add3A_723 : i32 to vector<16xi32>
      %add3A_725 = arith.addi %xor3A_719, %add3A_724 : vector<16xi32>
      %select_n3A_726 = arith.select %lt3A_722, %add3A_725, %xor3A_719 : vector<16xi1>, vector<16xi32>
      %broadcast_in_dim3A_727 = vector.shape_cast %select_n3A_726 : vector<16xi32> to vector<16x1xi32>
      %gather3A_728 = vector.shape_cast %broadcast_in_dim3A_727 : vector<16x1xi32> to vector<16xi32>
      %gather3A_729 = tpu.dynamic_gather %add3A_282[%gather3A_728] in [0] : vector<16xf32>, vector<16xi32> -> vector<16xf32>
      %add3A_730 = arith.addf %add3A_282, %gather3A_729 : vector<16xf32>
      %lt3A_731 = arith.constant 0 : i32
      %lt3A_732 = vector.broadcast %lt3A_731 : i32 to vector<16xi32>
      %lt3A_733 = arith.cmpi slt, %xor3A_719, %lt3A_732 : vector<16xi32>
      %add3A_734 = arith.constant 16 : i32
      %add3A_735 = vector.broadcast %add3A_734 : i32 to vector<16xi32>
      %add3A_736 = arith.addi %xor3A_719, %add3A_735 : vector<16xi32>
      %select_n3A_737 = arith.select %lt3A_733, %add3A_736, %xor3A_719 : vector<16xi1>, vector<16xi32>
      %broadcast_in_dim3A_738 = vector.shape_cast %select_n3A_737 : vector<16xi32> to vector<16x1xi32>
      %gather3A_739 = vector.shape_cast %broadcast_in_dim3A_738 : vector<16x1xi32> to vector<16xi32>
      %gather3A_740 = tpu.dynamic_gather %add3A_450[%gather3A_739] in [0] : vector<16xf32>, vector<16xi32> -> vector<16xf32>
      %add3A_741 = arith.addf %add3A_450, %gather3A_740 : vector<16xf32>
      %and3A_742 = arith.constant 8 : i32
      %and3A_743 = vector.broadcast %and3A_742 : i32 to vector<16xi32>
      %and3A_744 = arith.andi %iota3A, %and3A_743 : vector<16xi32>
      %eq3A_745 = arith.constant 0 : i32
      %eq3A_746 = vector.broadcast %eq3A_745 : i32 to vector<16xi32>
      %eq3A_747 = arith.cmpi eq, %and3A_744, %eq3A_746 : vector<16xi32>
      %lt3A_748 = arith.constant 0 : i32
      %lt3A_749 = vector.broadcast %lt3A_748 : i32 to vector<16xi32>
      %lt3A_750 = arith.cmpi slt, %xor3A_719, %lt3A_749 : vector<16xi32>
      %add3A_751 = arith.constant 16 : i32
      %add3A_752 = vector.broadcast %add3A_751 : i32 to vector<16xi32>
      %add3A_753 = arith.addi %xor3A_719, %add3A_752 : vector<16xi32>
      %select_n3A_754 = arith.select %lt3A_750, %add3A_753, %xor3A_719 : vector<16xi1>, vector<16xi32>
      %broadcast_in_dim3A_755 = vector.shape_cast %select_n3A_754 : vector<16xi32> to vector<16x1xi32>
      %gather3A_756 = vector.shape_cast %broadcast_in_dim3A_755 : vector<16x1xi32> to vector<16xi32>
      %gather3A_757 = tpu.dynamic_gather %add3A_741[%gather3A_756] in [0] : vector<16xf32>, vector<16xi32> -> vector<16xf32>
      %select_n3A_758 = arith.select %eq3A_747, %add3A_730, %gather3A_757 : vector<16xi1>, vector<16xf32>
      %xor3A_759 = arith.constant 8 : i32
      %xor3A_760 = vector.broadcast %xor3A_759 : i32 to vector<16xi32>
      %xor3A_761 = arith.xori %iota3A, %xor3A_760 : vector<16xi32>
      %lt3A_762 = arith.constant 0 : i32
      %lt3A_763 = vector.broadcast %lt3A_762 : i32 to vector<16xi32>
      %lt3A_764 = arith.cmpi slt, %xor3A_761, %lt3A_763 : vector<16xi32>
      %add3A_765 = arith.constant 16 : i32
      %add3A_766 = vector.broadcast %add3A_765 : i32 to vector<16xi32>
      %add3A_767 = arith.addi %xor3A_761, %add3A_766 : vector<16xi32>
      %select_n3A_768 = arith.select %lt3A_764, %add3A_767, %xor3A_761 : vector<16xi1>, vector<16xi32>
      %broadcast_in_dim3A_769 = vector.shape_cast %select_n3A_768 : vector<16xi32> to vector<16x1xi32>
      %gather3A_770 = vector.shape_cast %broadcast_in_dim3A_769 : vector<16x1xi32> to vector<16xi32>
      %gather3A_771 = tpu.dynamic_gather %add3A_303[%gather3A_770] in [0] : vector<16xf32>, vector<16xi32> -> vector<16xf32>
      %add3A_772 = arith.addf %add3A_303, %gather3A_771 : vector<16xf32>
      %lt3A_773 = arith.constant 0 : i32
      %lt3A_774 = vector.broadcast %lt3A_773 : i32 to vector<16xi32>
      %lt3A_775 = arith.cmpi slt, %xor3A_761, %lt3A_774 : vector<16xi32>
      %add3A_776 = arith.constant 16 : i32
      %add3A_777 = vector.broadcast %add3A_776 : i32 to vector<16xi32>
      %add3A_778 = arith.addi %xor3A_761, %add3A_777 : vector<16xi32>
      %select_n3A_779 = arith.select %lt3A_775, %add3A_778, %xor3A_761 : vector<16xi1>, vector<16xi32>
      %broadcast_in_dim3A_780 = vector.shape_cast %select_n3A_779 : vector<16xi32> to vector<16x1xi32>
      %gather3A_781 = vector.shape_cast %broadcast_in_dim3A_780 : vector<16x1xi32> to vector<16xi32>
      %gather3A_782 = tpu.dynamic_gather %add3A_471[%gather3A_781] in [0] : vector<16xf32>, vector<16xi32> -> vector<16xf32>
      %add3A_783 = arith.addf %add3A_471, %gather3A_782 : vector<16xf32>
      %and3A_784 = arith.constant 8 : i32
      %and3A_785 = vector.broadcast %and3A_784 : i32 to vector<16xi32>
      %and3A_786 = arith.andi %iota3A, %and3A_785 : vector<16xi32>
      %eq3A_787 = arith.constant 0 : i32
      %eq3A_788 = vector.broadcast %eq3A_787 : i32 to vector<16xi32>
      %eq3A_789 = arith.cmpi eq, %and3A_786, %eq3A_788 : vector<16xi32>
      %lt3A_790 = arith.constant 0 : i32
      %lt3A_791 = vector.broadcast %lt3A_790 : i32 to vector<16xi32>
      %lt3A_792 = arith.cmpi slt, %xor3A_761, %lt3A_791 : vector<16xi32>
      %add3A_793 = arith.constant 16 : i32
      %add3A_794 = vector.broadcast %add3A_793 : i32 to vector<16xi32>
      %add3A_795 = arith.addi %xor3A_761, %add3A_794 : vector<16xi32>
      %select_n3A_796 = arith.select %lt3A_792, %add3A_795, %xor3A_761 : vector<16xi1>, vector<16xi32>
      %broadcast_in_dim3A_797 = vector.shape_cast %select_n3A_796 : vector<16xi32> to vector<16x1xi32>
      %gather3A_798 = vector.shape_cast %broadcast_in_dim3A_797 : vector<16x1xi32> to vector<16xi32>
      %gather3A_799 = tpu.dynamic_gather %add3A_783[%gather3A_798] in [0] : vector<16xf32>, vector<16xi32> -> vector<16xf32>
      %select_n3A_800 = arith.select %eq3A_789, %add3A_772, %gather3A_799 : vector<16xi1>, vector<16xf32>
      %xor3A_801 = arith.constant 4 : i32
      %xor3A_802 = vector.broadcast %xor3A_801 : i32 to vector<16xi32>
      %xor3A_803 = arith.xori %iota3A, %xor3A_802 : vector<16xi32>
      %lt3A_804 = arith.constant 0 : i32
      %lt3A_805 = vector.broadcast %lt3A_804 : i32 to vector<16xi32>
      %lt3A_806 = arith.cmpi slt, %xor3A_803, %lt3A_805 : vector<16xi32>
      %add3A_807 = arith.constant 16 : i32
      %add3A_808 = vector.broadcast %add3A_807 : i32 to vector<16xi32>
      %add3A_809 = arith.addi %xor3A_803, %add3A_808 : vector<16xi32>
      %select_n3A_810 = arith.select %lt3A_806, %add3A_809, %xor3A_803 : vector<16xi1>, vector<16xi32>
      %broadcast_in_dim3A_811 = vector.shape_cast %select_n3A_810 : vector<16xi32> to vector<16x1xi32>
      %gather3A_812 = vector.shape_cast %broadcast_in_dim3A_811 : vector<16x1xi32> to vector<16xi32>
      %gather3A_813 = tpu.dynamic_gather %select_n3A_506[%gather3A_812] in [0] : vector<16xf32>, vector<16xi32> -> vector<16xf32>
      %add3A_814 = arith.addf %select_n3A_506, %gather3A_813 : vector<16xf32>
      %lt3A_815 = arith.constant 0 : i32
      %lt3A_816 = vector.broadcast %lt3A_815 : i32 to vector<16xi32>
      %lt3A_817 = arith.cmpi slt, %xor3A_803, %lt3A_816 : vector<16xi32>
      %add3A_818 = arith.constant 16 : i32
      %add3A_819 = vector.broadcast %add3A_818 : i32 to vector<16xi32>
      %add3A_820 = arith.addi %xor3A_803, %add3A_819 : vector<16xi32>
      %select_n3A_821 = arith.select %lt3A_817, %add3A_820, %xor3A_803 : vector<16xi1>, vector<16xi32>
      %broadcast_in_dim3A_822 = vector.shape_cast %select_n3A_821 : vector<16xi32> to vector<16x1xi32>
      %gather3A_823 = vector.shape_cast %broadcast_in_dim3A_822 : vector<16x1xi32> to vector<16xi32>
      %gather3A_824 = tpu.dynamic_gather %select_n3A_674[%gather3A_823] in [0] : vector<16xf32>, vector<16xi32> -> vector<16xf32>
      %add3A_825 = arith.addf %select_n3A_674, %gather3A_824 : vector<16xf32>
      %and3A_826 = arith.constant 4 : i32
      %and3A_827 = vector.broadcast %and3A_826 : i32 to vector<16xi32>
      %and3A_828 = arith.andi %iota3A, %and3A_827 : vector<16xi32>
      %eq3A_829 = arith.constant 0 : i32
      %eq3A_830 = vector.broadcast %eq3A_829 : i32 to vector<16xi32>
      %eq3A_831 = arith.cmpi eq, %and3A_828, %eq3A_830 : vector<16xi32>
      %lt3A_832 = arith.constant 0 : i32
      %lt3A_833 = vector.broadcast %lt3A_832 : i32 to vector<16xi32>
      %lt3A_834 = arith.cmpi slt, %xor3A_803, %lt3A_833 : vector<16xi32>
      %add3A_835 = arith.constant 16 : i32
      %add3A_836 = vector.broadcast %add3A_835 : i32 to vector<16xi32>
      %add3A_837 = arith.addi %xor3A_803, %add3A_836 : vector<16xi32>
      %select_n3A_838 = arith.select %lt3A_834, %add3A_837, %xor3A_803 : vector<16xi1>, vector<16xi32>
      %broadcast_in_dim3A_839 = vector.shape_cast %select_n3A_838 : vector<16xi32> to vector<16x1xi32>
      %gather3A_840 = vector.shape_cast %broadcast_in_dim3A_839 : vector<16x1xi32> to vector<16xi32>
      %gather3A_841 = tpu.dynamic_gather %add3A_825[%gather3A_840] in [0] : vector<16xf32>, vector<16xi32> -> vector<16xf32>
      %select_n3A_842 = arith.select %eq3A_831, %add3A_814, %gather3A_841 : vector<16xi1>, vector<16xf32>
      %xor3A_843 = arith.constant 4 : i32
      %xor3A_844 = vector.broadcast %xor3A_843 : i32 to vector<16xi32>
      %xor3A_845 = arith.xori %iota3A, %xor3A_844 : vector<16xi32>
      %lt3A_846 = arith.constant 0 : i32
      %lt3A_847 = vector.broadcast %lt3A_846 : i32 to vector<16xi32>
      %lt3A_848 = arith.cmpi slt, %xor3A_845, %lt3A_847 : vector<16xi32>
      %add3A_849 = arith.constant 16 : i32
      %add3A_850 = vector.broadcast %add3A_849 : i32 to vector<16xi32>
      %add3A_851 = arith.addi %xor3A_845, %add3A_850 : vector<16xi32>
      %select_n3A_852 = arith.select %lt3A_848, %add3A_851, %xor3A_845 : vector<16xi1>, vector<16xi32>
      %broadcast_in_dim3A_853 = vector.shape_cast %select_n3A_852 : vector<16xi32> to vector<16x1xi32>
      %gather3A_854 = vector.shape_cast %broadcast_in_dim3A_853 : vector<16x1xi32> to vector<16xi32>
      %gather3A_855 = tpu.dynamic_gather %select_n3A_548[%gather3A_854] in [0] : vector<16xf32>, vector<16xi32> -> vector<16xf32>
      %add3A_856 = arith.addf %select_n3A_548, %gather3A_855 : vector<16xf32>
      %lt3A_857 = arith.constant 0 : i32
      %lt3A_858 = vector.broadcast %lt3A_857 : i32 to vector<16xi32>
      %lt3A_859 = arith.cmpi slt, %xor3A_845, %lt3A_858 : vector<16xi32>
      %add3A_860 = arith.constant 16 : i32
      %add3A_861 = vector.broadcast %add3A_860 : i32 to vector<16xi32>
      %add3A_862 = arith.addi %xor3A_845, %add3A_861 : vector<16xi32>
      %select_n3A_863 = arith.select %lt3A_859, %add3A_862, %xor3A_845 : vector<16xi1>, vector<16xi32>
      %broadcast_in_dim3A_864 = vector.shape_cast %select_n3A_863 : vector<16xi32> to vector<16x1xi32>
      %gather3A_865 = vector.shape_cast %broadcast_in_dim3A_864 : vector<16x1xi32> to vector<16xi32>
      %gather3A_866 = tpu.dynamic_gather %select_n3A_716[%gather3A_865] in [0] : vector<16xf32>, vector<16xi32> -> vector<16xf32>
      %add3A_867 = arith.addf %select_n3A_716, %gather3A_866 : vector<16xf32>
      %and3A_868 = arith.constant 4 : i32
      %and3A_869 = vector.broadcast %and3A_868 : i32 to vector<16xi32>
      %and3A_870 = arith.andi %iota3A, %and3A_869 : vector<16xi32>
      %eq3A_871 = arith.constant 0 : i32
      %eq3A_872 = vector.broadcast %eq3A_871 : i32 to vector<16xi32>
      %eq3A_873 = arith.cmpi eq, %and3A_870, %eq3A_872 : vector<16xi32>
      %lt3A_874 = arith.constant 0 : i32
      %lt3A_875 = vector.broadcast %lt3A_874 : i32 to vector<16xi32>
      %lt3A_876 = arith.cmpi slt, %xor3A_845, %lt3A_875 : vector<16xi32>
      %add3A_877 = arith.constant 16 : i32
      %add3A_878 = vector.broadcast %add3A_877 : i32 to vector<16xi32>
      %add3A_879 = arith.addi %xor3A_845, %add3A_878 : vector<16xi32>
      %select_n3A_880 = arith.select %lt3A_876, %add3A_879, %xor3A_845 : vector<16xi1>, vector<16xi32>
      %broadcast_in_dim3A_881 = vector.shape_cast %select_n3A_880 : vector<16xi32> to vector<16x1xi32>
      %gather3A_882 = vector.shape_cast %broadcast_in_dim3A_881 : vector<16x1xi32> to vector<16xi32>
      %gather3A_883 = tpu.dynamic_gather %add3A_867[%gather3A_882] in [0] : vector<16xf32>, vector<16xi32> -> vector<16xf32>
      %select_n3A_884 = arith.select %eq3A_873, %add3A_856, %gather3A_883 : vector<16xi1>, vector<16xf32>
      %xor3A_885 = arith.constant 4 : i32
      %xor3A_886 = vector.broadcast %xor3A_885 : i32 to vector<16xi32>
      %xor3A_887 = arith.xori %iota3A, %xor3A_886 : vector<16xi32>
      %lt3A_888 = arith.constant 0 : i32
      %lt3A_889 = vector.broadcast %lt3A_888 : i32 to vector<16xi32>
      %lt3A_890 = arith.cmpi slt, %xor3A_887, %lt3A_889 : vector<16xi32>
      %add3A_891 = arith.constant 16 : i32
      %add3A_892 = vector.broadcast %add3A_891 : i32 to vector<16xi32>
      %add3A_893 = arith.addi %xor3A_887, %add3A_892 : vector<16xi32>
      %select_n3A_894 = arith.select %lt3A_890, %add3A_893, %xor3A_887 : vector<16xi1>, vector<16xi32>
      %broadcast_in_dim3A_895 = vector.shape_cast %select_n3A_894 : vector<16xi32> to vector<16x1xi32>
      %gather3A_896 = vector.shape_cast %broadcast_in_dim3A_895 : vector<16x1xi32> to vector<16xi32>
      %gather3A_897 = tpu.dynamic_gather %select_n3A_590[%gather3A_896] in [0] : vector<16xf32>, vector<16xi32> -> vector<16xf32>
      %add3A_898 = arith.addf %select_n3A_590, %gather3A_897 : vector<16xf32>
      %lt3A_899 = arith.constant 0 : i32
      %lt3A_900 = vector.broadcast %lt3A_899 : i32 to vector<16xi32>
      %lt3A_901 = arith.cmpi slt, %xor3A_887, %lt3A_900 : vector<16xi32>
      %add3A_902 = arith.constant 16 : i32
      %add3A_903 = vector.broadcast %add3A_902 : i32 to vector<16xi32>
      %add3A_904 = arith.addi %xor3A_887, %add3A_903 : vector<16xi32>
      %select_n3A_905 = arith.select %lt3A_901, %add3A_904, %xor3A_887 : vector<16xi1>, vector<16xi32>
      %broadcast_in_dim3A_906 = vector.shape_cast %select_n3A_905 : vector<16xi32> to vector<16x1xi32>
      %gather3A_907 = vector.shape_cast %broadcast_in_dim3A_906 : vector<16x1xi32> to vector<16xi32>
      %gather3A_908 = tpu.dynamic_gather %select_n3A_758[%gather3A_907] in [0] : vector<16xf32>, vector<16xi32> -> vector<16xf32>
      %add3A_909 = arith.addf %select_n3A_758, %gather3A_908 : vector<16xf32>
      %and3A_910 = arith.constant 4 : i32
      %and3A_911 = vector.broadcast %and3A_910 : i32 to vector<16xi32>
      %and3A_912 = arith.andi %iota3A, %and3A_911 : vector<16xi32>
      %eq3A_913 = arith.constant 0 : i32
      %eq3A_914 = vector.broadcast %eq3A_913 : i32 to vector<16xi32>
      %eq3A_915 = arith.cmpi eq, %and3A_912, %eq3A_914 : vector<16xi32>
      %lt3A_916 = arith.constant 0 : i32
      %lt3A_917 = vector.broadcast %lt3A_916 : i32 to vector<16xi32>
      %lt3A_918 = arith.cmpi slt, %xor3A_887, %lt3A_917 : vector<16xi32>
      %add3A_919 = arith.constant 16 : i32
      %add3A_920 = vector.broadcast %add3A_919 : i32 to vector<16xi32>
      %add3A_921 = arith.addi %xor3A_887, %add3A_920 : vector<16xi32>
      %select_n3A_922 = arith.select %lt3A_918, %add3A_921, %xor3A_887 : vector<16xi1>, vector<16xi32>
      %broadcast_in_dim3A_923 = vector.shape_cast %select_n3A_922 : vector<16xi32> to vector<16x1xi32>
      %gather3A_924 = vector.shape_cast %broadcast_in_dim3A_923 : vector<16x1xi32> to vector<16xi32>
      %gather3A_925 = tpu.dynamic_gather %add3A_909[%gather3A_924] in [0] : vector<16xf32>, vector<16xi32> -> vector<16xf32>
      %select_n3A_926 = arith.select %eq3A_915, %add3A_898, %gather3A_925 : vector<16xi1>, vector<16xf32>
      %xor3A_927 = arith.constant 4 : i32
      %xor3A_928 = vector.broadcast %xor3A_927 : i32 to vector<16xi32>
      %xor3A_929 = arith.xori %iota3A, %xor3A_928 : vector<16xi32>
      %lt3A_930 = arith.constant 0 : i32
      %lt3A_931 = vector.broadcast %lt3A_930 : i32 to vector<16xi32>
      %lt3A_932 = arith.cmpi slt, %xor3A_929, %lt3A_931 : vector<16xi32>
      %add3A_933 = arith.constant 16 : i32
      %add3A_934 = vector.broadcast %add3A_933 : i32 to vector<16xi32>
      %add3A_935 = arith.addi %xor3A_929, %add3A_934 : vector<16xi32>
      %select_n3A_936 = arith.select %lt3A_932, %add3A_935, %xor3A_929 : vector<16xi1>, vector<16xi32>
      %broadcast_in_dim3A_937 = vector.shape_cast %select_n3A_936 : vector<16xi32> to vector<16x1xi32>
      %gather3A_938 = vector.shape_cast %broadcast_in_dim3A_937 : vector<16x1xi32> to vector<16xi32>
      %gather3A_939 = tpu.dynamic_gather %select_n3A_632[%gather3A_938] in [0] : vector<16xf32>, vector<16xi32> -> vector<16xf32>
      %add3A_940 = arith.addf %select_n3A_632, %gather3A_939 : vector<16xf32>
      %lt3A_941 = arith.constant 0 : i32
      %lt3A_942 = vector.broadcast %lt3A_941 : i32 to vector<16xi32>
      %lt3A_943 = arith.cmpi slt, %xor3A_929, %lt3A_942 : vector<16xi32>
      %add3A_944 = arith.constant 16 : i32
      %add3A_945 = vector.broadcast %add3A_944 : i32 to vector<16xi32>
      %add3A_946 = arith.addi %xor3A_929, %add3A_945 : vector<16xi32>
      %select_n3A_947 = arith.select %lt3A_943, %add3A_946, %xor3A_929 : vector<16xi1>, vector<16xi32>
      %broadcast_in_dim3A_948 = vector.shape_cast %select_n3A_947 : vector<16xi32> to vector<16x1xi32>
      %gather3A_949 = vector.shape_cast %broadcast_in_dim3A_948 : vector<16x1xi32> to vector<16xi32>
      %gather3A_950 = tpu.dynamic_gather %select_n3A_800[%gather3A_949] in [0] : vector<16xf32>, vector<16xi32> -> vector<16xf32>
      %add3A_951 = arith.addf %select_n3A_800, %gather3A_950 : vector<16xf32>
      %and3A_952 = arith.constant 4 : i32
      %and3A_953 = vector.broadcast %and3A_952 : i32 to vector<16xi32>
      %and3A_954 = arith.andi %iota3A, %and3A_953 : vector<16xi32>
      %eq3A_955 = arith.constant 0 : i32
      %eq3A_956 = vector.broadcast %eq3A_955 : i32 to vector<16xi32>
      %eq3A_957 = arith.cmpi eq, %and3A_954, %eq3A_956 : vector<16xi32>
      %lt3A_958 = arith.constant 0 : i32
      %lt3A_959 = vector.broadcast %lt3A_958 : i32 to vector<16xi32>
      %lt3A_960 = arith.cmpi slt, %xor3A_929, %lt3A_959 : vector<16xi32>
      %add3A_961 = arith.constant 16 : i32
      %add3A_962 = vector.broadcast %add3A_961 : i32 to vector<16xi32>
      %add3A_963 = arith.addi %xor3A_929, %add3A_962 : vector<16xi32>
      %select_n3A_964 = arith.select %lt3A_960, %add3A_963, %xor3A_929 : vector<16xi1>, vector<16xi32>
      %broadcast_in_dim3A_965 = vector.shape_cast %select_n3A_964 : vector<16xi32> to vector<16x1xi32>
      %gather3A_966 = vector.shape_cast %broadcast_in_dim3A_965 : vector<16x1xi32> to vector<16xi32>
      %gather3A_967 = tpu.dynamic_gather %add3A_951[%gather3A_966] in [0] : vector<16xf32>, vector<16xi32> -> vector<16xf32>
      %select_n3A_968 = arith.select %eq3A_957, %add3A_940, %gather3A_967 : vector<16xi1>, vector<16xf32>
      %xor3A_969 = arith.constant 2 : i32
      %xor3A_970 = vector.broadcast %xor3A_969 : i32 to vector<16xi32>
      %xor3A_971 = arith.xori %iota3A, %xor3A_970 : vector<16xi32>
      %lt3A_972 = arith.constant 0 : i32
      %lt3A_973 = vector.broadcast %lt3A_972 : i32 to vector<16xi32>
      %lt3A_974 = arith.cmpi slt, %xor3A_971, %lt3A_973 : vector<16xi32>
      %add3A_975 = arith.constant 16 : i32
      %add3A_976 = vector.broadcast %add3A_975 : i32 to vector<16xi32>
      %add3A_977 = arith.addi %xor3A_971, %add3A_976 : vector<16xi32>
      %select_n3A_978 = arith.select %lt3A_974, %add3A_977, %xor3A_971 : vector<16xi1>, vector<16xi32>
      %broadcast_in_dim3A_979 = vector.shape_cast %select_n3A_978 : vector<16xi32> to vector<16x1xi32>
      %gather3A_980 = vector.shape_cast %broadcast_in_dim3A_979 : vector<16x1xi32> to vector<16xi32>
      %gather3A_981 = tpu.dynamic_gather %select_n3A_842[%gather3A_980] in [0] : vector<16xf32>, vector<16xi32> -> vector<16xf32>
      %add3A_982 = arith.addf %select_n3A_842, %gather3A_981 : vector<16xf32>
      %lt3A_983 = arith.constant 0 : i32
      %lt3A_984 = vector.broadcast %lt3A_983 : i32 to vector<16xi32>
      %lt3A_985 = arith.cmpi slt, %xor3A_971, %lt3A_984 : vector<16xi32>
      %add3A_986 = arith.constant 16 : i32
      %add3A_987 = vector.broadcast %add3A_986 : i32 to vector<16xi32>
      %add3A_988 = arith.addi %xor3A_971, %add3A_987 : vector<16xi32>
      %select_n3A_989 = arith.select %lt3A_985, %add3A_988, %xor3A_971 : vector<16xi1>, vector<16xi32>
      %broadcast_in_dim3A_990 = vector.shape_cast %select_n3A_989 : vector<16xi32> to vector<16x1xi32>
      %gather3A_991 = vector.shape_cast %broadcast_in_dim3A_990 : vector<16x1xi32> to vector<16xi32>
      %gather3A_992 = tpu.dynamic_gather %select_n3A_926[%gather3A_991] in [0] : vector<16xf32>, vector<16xi32> -> vector<16xf32>
      %add3A_993 = arith.addf %select_n3A_926, %gather3A_992 : vector<16xf32>
      %and3A_994 = arith.constant 2 : i32
      %and3A_995 = vector.broadcast %and3A_994 : i32 to vector<16xi32>
      %and3A_996 = arith.andi %iota3A, %and3A_995 : vector<16xi32>
      %eq3A_997 = arith.constant 0 : i32
      %eq3A_998 = vector.broadcast %eq3A_997 : i32 to vector<16xi32>
      %eq3A_999 = arith.cmpi eq, %and3A_996, %eq3A_998 : vector<16xi32>
      %lt3A_1000 = arith.constant 0 : i32
      %lt3A_1001 = vector.broadcast %lt3A_1000 : i32 to vector<16xi32>
      %lt3A_1002 = arith.cmpi slt, %xor3A_971, %lt3A_1001 : vector<16xi32>
      %add3A_1003 = arith.constant 16 : i32
      %add3A_1004 = vector.broadcast %add3A_1003 : i32 to vector<16xi32>
      %add3A_1005 = arith.addi %xor3A_971, %add3A_1004 : vector<16xi32>
      %select_n3A_1006 = arith.select %lt3A_1002, %add3A_1005, %xor3A_971 : vector<16xi1>, vector<16xi32>
      %broadcast_in_dim3A_1007 = vector.shape_cast %select_n3A_1006 : vector<16xi32> to vector<16x1xi32>
      %gather3A_1008 = vector.shape_cast %broadcast_in_dim3A_1007 : vector<16x1xi32> to vector<16xi32>
      %gather3A_1009 = tpu.dynamic_gather %add3A_993[%gather3A_1008] in [0] : vector<16xf32>, vector<16xi32> -> vector<16xf32>
      %select_n3A_1010 = arith.select %eq3A_999, %add3A_982, %gather3A_1009 : vector<16xi1>, vector<16xf32>
      %xor3A_1011 = arith.constant 2 : i32
      %xor3A_1012 = vector.broadcast %xor3A_1011 : i32 to vector<16xi32>
      %xor3A_1013 = arith.xori %iota3A, %xor3A_1012 : vector<16xi32>
      %lt3A_1014 = arith.constant 0 : i32
      %lt3A_1015 = vector.broadcast %lt3A_1014 : i32 to vector<16xi32>
      %lt3A_1016 = arith.cmpi slt, %xor3A_1013, %lt3A_1015 : vector<16xi32>
      %add3A_1017 = arith.constant 16 : i32
      %add3A_1018 = vector.broadcast %add3A_1017 : i32 to vector<16xi32>
      %add3A_1019 = arith.addi %xor3A_1013, %add3A_1018 : vector<16xi32>
      %select_n3A_1020 = arith.select %lt3A_1016, %add3A_1019, %xor3A_1013 : vector<16xi1>, vector<16xi32>
      %broadcast_in_dim3A_1021 = vector.shape_cast %select_n3A_1020 : vector<16xi32> to vector<16x1xi32>
      %gather3A_1022 = vector.shape_cast %broadcast_in_dim3A_1021 : vector<16x1xi32> to vector<16xi32>
      %gather3A_1023 = tpu.dynamic_gather %select_n3A_884[%gather3A_1022] in [0] : vector<16xf32>, vector<16xi32> -> vector<16xf32>
      %add3A_1024 = arith.addf %select_n3A_884, %gather3A_1023 : vector<16xf32>
      %lt3A_1025 = arith.constant 0 : i32
      %lt3A_1026 = vector.broadcast %lt3A_1025 : i32 to vector<16xi32>
      %lt3A_1027 = arith.cmpi slt, %xor3A_1013, %lt3A_1026 : vector<16xi32>
      %add3A_1028 = arith.constant 16 : i32
      %add3A_1029 = vector.broadcast %add3A_1028 : i32 to vector<16xi32>
      %add3A_1030 = arith.addi %xor3A_1013, %add3A_1029 : vector<16xi32>
      %select_n3A_1031 = arith.select %lt3A_1027, %add3A_1030, %xor3A_1013 : vector<16xi1>, vector<16xi32>
      %broadcast_in_dim3A_1032 = vector.shape_cast %select_n3A_1031 : vector<16xi32> to vector<16x1xi32>
      %gather3A_1033 = vector.shape_cast %broadcast_in_dim3A_1032 : vector<16x1xi32> to vector<16xi32>
      %gather3A_1034 = tpu.dynamic_gather %select_n3A_968[%gather3A_1033] in [0] : vector<16xf32>, vector<16xi32> -> vector<16xf32>
      %add3A_1035 = arith.addf %select_n3A_968, %gather3A_1034 : vector<16xf32>
      %and3A_1036 = arith.constant 2 : i32
      %and3A_1037 = vector.broadcast %and3A_1036 : i32 to vector<16xi32>
      %and3A_1038 = arith.andi %iota3A, %and3A_1037 : vector<16xi32>
      %eq3A_1039 = arith.constant 0 : i32
      %eq3A_1040 = vector.broadcast %eq3A_1039 : i32 to vector<16xi32>
      %eq3A_1041 = arith.cmpi eq, %and3A_1038, %eq3A_1040 : vector<16xi32>
      %lt3A_1042 = arith.constant 0 : i32
      %lt3A_1043 = vector.broadcast %lt3A_1042 : i32 to vector<16xi32>
      %lt3A_1044 = arith.cmpi slt, %xor3A_1013, %lt3A_1043 : vector<16xi32>
      %add3A_1045 = arith.constant 16 : i32
      %add3A_1046 = vector.broadcast %add3A_1045 : i32 to vector<16xi32>
      %add3A_1047 = arith.addi %xor3A_1013, %add3A_1046 : vector<16xi32>
      %select_n3A_1048 = arith.select %lt3A_1044, %add3A_1047, %xor3A_1013 : vector<16xi1>, vector<16xi32>
      %broadcast_in_dim3A_1049 = vector.shape_cast %select_n3A_1048 : vector<16xi32> to vector<16x1xi32>
      %gather3A_1050 = vector.shape_cast %broadcast_in_dim3A_1049 : vector<16x1xi32> to vector<16xi32>
      %gather3A_1051 = tpu.dynamic_gather %add3A_1035[%gather3A_1050] in [0] : vector<16xf32>, vector<16xi32> -> vector<16xf32>
      %select_n3A_1052 = arith.select %eq3A_1041, %add3A_1024, %gather3A_1051 : vector<16xi1>, vector<16xf32>
      %xor3A_1053 = arith.constant 1 : i32
      %xor3A_1054 = vector.broadcast %xor3A_1053 : i32 to vector<16xi32>
      %xor3A_1055 = arith.xori %iota3A, %xor3A_1054 : vector<16xi32>
      %lt3A_1056 = arith.constant 0 : i32
      %lt3A_1057 = vector.broadcast %lt3A_1056 : i32 to vector<16xi32>
      %lt3A_1058 = arith.cmpi slt, %xor3A_1055, %lt3A_1057 : vector<16xi32>
      %add3A_1059 = arith.constant 16 : i32
      %add3A_1060 = vector.broadcast %add3A_1059 : i32 to vector<16xi32>
      %add3A_1061 = arith.addi %xor3A_1055, %add3A_1060 : vector<16xi32>
      %select_n3A_1062 = arith.select %lt3A_1058, %add3A_1061, %xor3A_1055 : vector<16xi1>, vector<16xi32>
      %broadcast_in_dim3A_1063 = vector.shape_cast %select_n3A_1062 : vector<16xi32> to vector<16x1xi32>
      %gather3A_1064 = vector.shape_cast %broadcast_in_dim3A_1063 : vector<16x1xi32> to vector<16xi32>
      %gather3A_1065 = tpu.dynamic_gather %select_n3A_1010[%gather3A_1064] in [0] : vector<16xf32>, vector<16xi32> -> vector<16xf32>
      %add3A_1066 = arith.addf %select_n3A_1010, %gather3A_1065 : vector<16xf32>
      %lt3A_1067 = arith.constant 0 : i32
      %lt3A_1068 = vector.broadcast %lt3A_1067 : i32 to vector<16xi32>
      %lt3A_1069 = arith.cmpi slt, %xor3A_1055, %lt3A_1068 : vector<16xi32>
      %add3A_1070 = arith.constant 16 : i32
      %add3A_1071 = vector.broadcast %add3A_1070 : i32 to vector<16xi32>
      %add3A_1072 = arith.addi %xor3A_1055, %add3A_1071 : vector<16xi32>
      %select_n3A_1073 = arith.select %lt3A_1069, %add3A_1072, %xor3A_1055 : vector<16xi1>, vector<16xi32>
      %broadcast_in_dim3A_1074 = vector.shape_cast %select_n3A_1073 : vector<16xi32> to vector<16x1xi32>
      %gather3A_1075 = vector.shape_cast %broadcast_in_dim3A_1074 : vector<16x1xi32> to vector<16xi32>
      %gather3A_1076 = tpu.dynamic_gather %select_n3A_1052[%gather3A_1075] in [0] : vector<16xf32>, vector<16xi32> -> vector<16xf32>
      %add3A_1077 = arith.addf %select_n3A_1052, %gather3A_1076 : vector<16xf32>
      %and3A_1078 = arith.constant 1 : i32
      %and3A_1079 = vector.broadcast %and3A_1078 : i32 to vector<16xi32>
      %and3A_1080 = arith.andi %iota3A, %and3A_1079 : vector<16xi32>
      %eq3A_1081 = arith.constant 0 : i32
      %eq3A_1082 = vector.broadcast %eq3A_1081 : i32 to vector<16xi32>
      %eq3A_1083 = arith.cmpi eq, %and3A_1080, %eq3A_1082 : vector<16xi32>
      %lt3A_1084 = arith.constant 0 : i32
      %lt3A_1085 = vector.broadcast %lt3A_1084 : i32 to vector<16xi32>
      %lt3A_1086 = arith.cmpi slt, %xor3A_1055, %lt3A_1085 : vector<16xi32>
      %add3A_1087 = arith.constant 16 : i32
      %add3A_1088 = vector.broadcast %add3A_1087 : i32 to vector<16xi32>
      %add3A_1089 = arith.addi %xor3A_1055, %add3A_1088 : vector<16xi32>
      %select_n3A_1090 = arith.select %lt3A_1086, %add3A_1089, %xor3A_1055 : vector<16xi1>, vector<16xi32>
      %broadcast_in_dim3A_1091 = vector.shape_cast %select_n3A_1090 : vector<16xi32> to vector<16x1xi32>
      %gather3A_1092 = vector.shape_cast %broadcast_in_dim3A_1091 : vector<16x1xi32> to vector<16xi32>
      %gather3A_1093 = tpu.dynamic_gather %add3A_1077[%gather3A_1092] in [0] : vector<16xf32>, vector<16xi32> -> vector<16xf32>
      %select_n3A_1094 = arith.select %eq3A_1083, %add3A_1066, %gather3A_1093 : vector<16xi1>, vector<16xf32>
      %neg3A = arith.constant 0.000000e+00 : f32
      %neg3A_1095 = vector.broadcast %neg3A : f32 to vector<16xf32>
      %neg3A_1096 = arith.subf %neg3A_1095, %select_n3A_1094 : vector<16xf32>
      %exp3A = math.exp %neg3A_1096 : vector<16xf32>
      %add3A_1097 = arith.constant 1.000000e+00 : f32
      %add3A_1098 = vector.broadcast %add3A_1097 : f32 to vector<16xf32>
      %add3A_1099 = arith.addf %add3A_1098, %exp3A : vector<16xf32>
      %div3A = arith.constant 1.000000e+00 : f32
      %div3A_1100 = vector.broadcast %div3A : f32 to vector<16xf32>
      %div3A_1101 = arith.divf %div3A_1100, %add3A_1099 : vector<16xf32>
      %swap3A = arith.index_cast %mul3A_136 : i32 to index
      %swap3A_1102 = tpu.vector_load %arg11[%swap3A] {strides = array<i32>} : memref<512xf32, #tpu.memory_space<vmem>>, vector<16xf32>,
      %swap3A_1103 = vector.shape_cast %swap3A_1102 : vector<16xf32> to vector<16xf32>
      %swap3A_1104 = vector.shape_cast %div3A_1101 : vector<16xf32> to vector<16xf32>
      tpu.vector_store %arg11[%swap3A], %swap3A_1104 {strides = array<i32>} : memref<512xf32, #tpu.memory_space<vmem>>, vector<16xf32>,
    }
    %scan3A_133 = arith.constant 32 : i32
    "tpu.region"() ({
      %run_scoped3A = tpu.sem_alloc : memref<!tpu.dma_semaphore, #tpu.memory_space<semaphore_mem>>
      %dma_start3A_134 = tpu.memref_slice %arg6[%mul3A_2] : memref<16384xf32, #tpu.memory_space<hbm>> -> memref<512xf32, #tpu.memory_space<hbm>>
      %dma_start3A_135 = tpu.memref_slice %arg6[%mul3A_2] : memref<16384xf32, #tpu.memory_space<hbm>> -> memref<512xf32, #tpu.memory_space<hbm>>
      tpu.enqueue_dma source(%arg11 : memref<512xf32, #tpu.memory_space<vmem>>) target(%dma_start3A_135 : memref<512xf32, #tpu.memory_space<hbm>>) target_semaphore(%run_scoped3A : memref<!tpu.dma_semaphore, #tpu.memory_space<semaphore_mem>>)
      %dma_wait3A_136 = tpu.memref_slice %arg6[%mul3A_2] : memref<16384xf32, #tpu.memory_space<hbm>> -> memref<512xf32, #tpu.memory_space<hbm>>
      %dma_wait3A_137 = tpu.memref_slice %arg6[%mul3A_2] : memref<16384xf32, #tpu.memory_space<hbm>> -> memref<512xf32, #tpu.memory_space<hbm>>
      tpu.wait_dma2 semaphore(%run_scoped3A : memref<!tpu.dma_semaphore, #tpu.memory_space<semaphore_mem>>) src(%arg11 : memref<512xf32, #tpu.memory_space<vmem>>) dst(%dma_wait3A_137 : memref<512xf32, #tpu.memory_space<hbm>>)
      tpu.yield
    }) : () -> ()
    return
  }
}

</mosaic_0001>

<sc_bundles>
// kernel: kernel.3.cloned.1.call-start
scs
__scs_entry_jumppad:
0x0: {  	(pc) =	sbr.rel $0x88, $3  }
0x1: {  	(tag) =	ssettag $0x0;
	lr =	simm.s32 $0x1  }
0x2: {  	[smem:$0x3F9D] =	sst lr;
	_ =	strace $0xD0000000  }
0x3: {  	_ = 	snop  }
0x4: {  	_ = 	snop  }
0x5: {  	_ = 	snop  }
0x6: {  	_ = 	snop  }
0x7: {  	_ = 	snop  }
__scs_overlays_trampoline_lowered:
0x8: {  	[smem:$0x3FAC] =	sst s0  }
0x9: {  	[smem:$0x3FAD] =	sst s1  }
0xa: {  	[smem:$0x3FAE] =	sst s2  }
0xb: {  	[smem:$0x3FAF] =	sst s3  }
0xc: {  	[smem:$0x3FB0] =	sst s4  }
0xd: {  	[smem:$0x3FB1] =	sst s5  }
0xe: {  	[smem:$0x3FB2] =	sst s6  }
0xf: {  	[smem:$0x3FB3] =	sst s7  }
0x10: {  	[smem:$0x3FB4] =	sst s8  }
0x11: {  	[smem:$0x3FB5] =	sst s9;
	s0 =	simm.s32 @!p0 $0x0  }
0x12: {  	s1 =	sld [smem:$0x3F9B];
	s0 =	simm.s32 @p0 $0x1  }
0x13: {  	[smem:$0x3FB6] =	sst s0;
	s0 =	simm.s32 @!p1 $0x0  }
0x14: {  	s2 =	sld [smem:$0x3F9A];
	s0 =	simm.s32 @p1 $0x1  }
0x15: {  	[smem:$0x3FB7] =	sst s0;
	s0 =	simm.s32 @!p2 $0x0  }
0x16: {  	s3 =	sld [smem:$0x3FDB];
	s0 =	simm.s32 @p2 $0x1  }
0x17: {  	s4 =	simm.s32 $0x1BF5;
	[smem:$0x3FB9] =	sst s0  }
0x18: {  	s0 =	sld [smem:$0x3F9C];
	_ =	swait.ge [sflag:s4], $0x0  }
0x19: {  	s7 =	sld [smem:$0x3F9D]  }
0x1a: {  	s8 =	sadd.s32 $0xFFFFE003, lr  }
0x1b: {  	s9 =	sadd.s32 $0xFFFFFEF7, lr;
	s5 =	simm.s32 $0xFFFFFFFF;
	p2 =	slt.u32 s8, $0xFFFFF086  }
0x1c: {  	p1 =	slt.u32 s9, $0xF7A;
	s5 =	simm.s32 @!p2 $0x0  }
0x1d: {  	s5 =	simm.s32 @p1 $0x1;
	p0 =	seq.s32 s7, s2  }
0x1e: {  	s7 =	smul.u32 @!p0 $0xF7A, s2;
	p2 =	seq.s32 @!p0 s5, $0x0  }
0x1f: {  	s9 =	smul.u32 $0xF7A, s1;
	s8 =	simm.s32 @!p0 $0x1BF5;
	p2 =	por !p2, p0  }
0x20: {  	[sflag:s8] =	ssyncset.s32 @!p0 $0xFFFFF086;
	s6 =	sadd.s32 @!p0 s3, s7;
	s7 =	simm.s32 @!p0 $0x108  }
0x21: {  	s3 =	sadd.s32 s3, s9;
	s6 =	sadd.s32 @!p0 $0x88, s6;
	s7 =	simm.s32 @p2 $0x1082  }
0x22: {  	[simem:s7], [sflag:s8] =	dma.local @!p0 [hbm:s6], $0xF7A  }
0x23: {  	s9 =	sor.u32 $0xD0000000, s2;
	s6 =	simm.s32 $0x108;
	_ =	swait.ge @!p0 [sflag:s8], $0x0  }
0x24: {  	s3 =	sadd.s32 $0x88, s3;
	s6 =	simm.s32 @!p1 $0x1082;
	[sflag:s4] =	ssyncset.s32 $0xFFFFF086  }
0x25: {  	[simem:s6], [sflag:s4] =	dma.local [hbm:s3], $0xF7A  }
0x26: {  	[smem:$0x3F9D] =	sst s1;
	(tag) =	ssettag s2;
	_ =	strace s9  }
0x27: {  	s1 =	sld [smem:$0x3FAD]  }
0x28: {  	s2 =	sld [smem:$0x3FAE]  }
0x29: {  	s4 =	sld [smem:$0x3FB0]  }
0x2a: {  	p0 =	seq.s32 s5, $0x0;
	s5 =	sld [smem:$0x3FB1]  }
0x2b: {  	s6 =	sld [smem:$0x3FB2]  }
0x2c: {  	s7 =	sld [smem:$0x3FB3]  }
0x2d: {  	s3 =	simm.s32 $0x108;
	s8 =	sld [smem:$0x3FB4]  }
0x2e: {  	s3 =	simm.s32 @!p0 $0x1082;
	s9 =	sld [smem:$0x3FB5]  }
0x2f: {  	lr =	sadd.s32 s0, s3;
	s0 =	sld [smem:$0x3FAC]  }
0x30: {  	s3 =	sld [smem:$0x3FAF]  }
0x31: {  	[smem:$0x3FB8] =	sst s10  }
0x32: {  	s10 =	sld [smem:$0x3FB6];
	_ =	sdelay $0x3  }
0x33: {  	p0 =	seq.s32 s10, $0x1;
	s10 =	sld [smem:$0x3FB8];
	_ =	sdelay $0x3  }
0x34: {  	[smem:$0x3FB8] =	sst s10  }
0x35: {  	s10 =	sld [smem:$0x3FB7];
	_ =	sdelay $0x3  }
0x36: {  	p1 =	seq.s32 s10, $0x1;
	s10 =	sld [smem:$0x3FB8];
	_ =	sdelay $0x3  }
0x37: {  	[smem:$0x3FB8] =	sst s10  }
0x38: {  	s10 =	sld [smem:$0x3FB9]  }
0x39: {  	_ = 	snop;
	(pc) =	sbr.ind lr, $3  }
0x3a: {  	_ = 	snop  }
0x3b: {  	_ = 	snop  }
0x3c: {  	p2 =	seq.s32 s10, $0x1;
	s10 =	sld [smem:$0x3FB8]  }
0x3d: {  	_ =	shalt  }
0x3e: {  	_ =	shalt  }
0x3f: {  	_ =	shalt  }
0x40: {  	_ =	shalt  }
0x41: {  	_ =	shalt  }
0x42: {  	_ =	shalt  }
0x43: {  	_ =	shalt  }
0x44: {  	_ =	shalt  }
0x45: {  	_ =	shalt  }
0x46: {  	_ =	shalt  }
0x47: {  	_ =	shalt  }
0x48: {  	_ =	shalt  }
0x49: {  	_ =	shalt  }
0x4a: {  	_ =	shalt  }
0x4b: {  	_ =	shalt  }
0x4c: {  	_ =	shalt  }
0x4d: {  	_ =	shalt  }
0x4e: {  	_ =	shalt  }
0x4f: {  	_ =	shalt  }
0x50: {  	_ =	shalt  }
0x51: {  	_ =	shalt  }
0x52: {  	_ =	shalt  }
0x53: {  	_ =	shalt  }
0x54: {  	_ =	shalt  }
0x55: {  	_ =	shalt  }
0x56: {  	_ =	shalt  }
0x57: {  	_ =	shalt  }
0x58: {  	_ =	shalt  }
0x59: {  	_ =	shalt  }
0x5a: {  	_ =	shalt  }
0x5b: {  	_ =	shalt  }
0x5c: {  	_ =	shalt  }
0x5d: {  	_ =	shalt  }
0x5e: {  	_ =	shalt  }
0x5f: {  	_ =	shalt  }
0x60: {  	_ =	shalt  }
0x61: {  	_ =	shalt  }
0x62: {  	_ =	shalt  }
0x63: {  	_ =	shalt  }
0x64: {  	_ =	shalt  }
0x65: {  	_ =	shalt  }
0x66: {  	_ =	shalt  }
0x67: {  	_ =	shalt  }
0x68: {  	_ =	shalt  }
0x69: {  	_ =	shalt  }
0x6a: {  	_ =	shalt  }
0x6b: {  	_ =	shalt  }
0x6c: {  	_ =	shalt  }
0x6d: {  	_ =	shalt  }
0x6e: {  	_ =	shalt  }
0x6f: {  	_ =	shalt  }
0x70: {  	_ =	shalt  }
0x71: {  	_ =	shalt  }
0x72: {  	_ =	shalt  }
0x73: {  	_ =	shalt  }
0x74: {  	_ =	shalt  }
0x75: {  	_ =	shalt  }
0x76: {  	_ =	shalt  }
0x77: {  	_ =	shalt  }
0x78: {  	_ =	shalt  }
0x79: {  	_ =	shalt  }
0x7a: {  	_ =	shalt  }
0x7b: {  	_ =	shalt  }
0x7c: {  	_ =	shalt  }
0x7d: {  	_ =	shalt  }
0x7e: {  	_ =	shalt  }
0x7f: {  	_ =	shalt  }
0x80: {  	_ =	shalt  }
0x81: {  	_ =	shalt  }
0x82: {  	_ =	shalt  }
0x83: {  	_ =	shalt  }
0x84: {  	_ =	shalt  }
0x85: {  	_ =	shalt  }
0x86: {  	_ =	shalt  }
0x87: {  	_ =	shalt  }
.Lfunc_end0:
.L_simem_size_0:
called_computation_lowered:
.L_overlay_start_0:
0x88: {  	s2 =	sld [smem:$0x3FD9]  }
0x89: {  	s3 =	sld [smem:$0x3FFE];
	_ =	sdelay $0x1  }
0x8a: {  	s1 =	srdreg.scid  }
0x8b: {  	s0 =	sand.u32 $0x1, s1  }
0x8c: {  	s17 =	sshll.u32 s0, $0xA;
	s2 =	sadd.s32 s3, s2  }
0x8d: {  	s2 =	sadd.s32 s2, s17  }
0x8e: {  	[smem:$0x3FC4] =	sst s2  }
0x8f: {  	_ = 	snop  }
0x90: {  	s2 =	sld [smem:$0x3FC9]  }
0x91: {  	s18 =	sld [smem:$0x3FC8]  }
0x92: {  	s4 =	sld [smem:$0x3FD0];
	(tm) =	ssettm $0x1  }
0x93: {  	s5 =	sld [smem:$0x3FFB];
	_ =	sdelay $0x3  }
0x94: {  	_ =	strace s5  }
0x95: {  	s5 =	sld [smem:$0x3FFC];
	_ =	sdelay $0x3  }
0x96: {  	_ =	strace s5  }
0x97: {  	s5 =	sld [smem:$0x3FFD];
	_ =	sdelay $0x3  }
0x98: {  	_ =	strace s5  }
0x99: {  	_ =	strace $0x8FFFFFFF  }
0x9a: {  	s19 =	sld [smem:$0x3FDB];
	_ =	sdelay $0x1  }
0x9b: {  	s6 =	simm.s32 $_scs_section_size  }
0x9c: {  	s7 =	simm.s32 $_size__tile_overlayer_lowered;
	s8 =	simm.s32 $_tile_overlayer_lowered  }
0x9d: {  	s22 =	simm.s32 $0x1BFF;
	s21 =	sshll.u32 s8, $0x1;
	s5 =	sadd.s32 s6, s19  }
0x9e: {  	s9 =	simm.s32 $0x0;
	s20 =	sshll.u32 s7, $0x1;
	s7 =	sadd.s32 s21, s5  }
0x9f: {  	[timem:s9], [sflag:s22] =	dma.local [hbm:s7], s20  }
0xa0: {  	_ =	swait.ge [sflag:s22], s20  }
0xa1: {  	s6 =	ssub.s32 $0x0, s20;
	[sflag:s22] =	ssyncset.done $0x0  }
0xa2: {  	[sflag:s22] =	ssyncadd.s32 s6;
	_ =	sdelay $0x1  }
0xa3: {  	s23 =	simm.s32 $0x1B8B  }
0xa4: {  	_ =	swait.ge [sflag:s23], $0x1  }
0xa5: {  	[sflag:s23] =	ssyncset.done $0x0  }
0xa6: {  	s25 =	simm.s32 $0x1B8E;
	s24 =	sld [smem:$0x3FFE];
	[sflag:s23] =	ssyncadd.s32 $0xFFFFFFFF  }
0xa7: {  	s26 =	simm.s32 $execute0_lowered;
	[smem:$0x3FD2] =	sst s25  }
0xa8: {  	s7 =	sshll.u32 s26, $0x1;
	_ =	strace $0x80000046;
	[dreg:$0x1] =	wrdreg $0xFFFFFFFF  }
0xa9: {  	s28 =	simm.s32 $_size_execute0_lowered;
	s5 =	sadd.s32 s5, s7;
	[dreg:$0x0] =	wrdreg $0x0  }
0xaa: {  	s7 =	sshll.u32 s28, $0x1;
	[dreg:$0x2] =	wrdreg s5  }
0xab: {  	[dreg:$0x3] =	wrdreg s7  }
0xac: {  	[dreg:$0x4] =	wrdreg $0xC0  }
0xad: {  	_ =	task [dreg:s9], $0x5FFFF  }
0xae: {  	[dreg:$0x1] =	wrdreg $0xFFFFFFFF  }
0xaf: {  	[dreg:$0x0] =	wrdreg $0x60  }
0xb0: {  	[dreg:$0x2] =	wrdreg s2  }
0xb1: {  	[dreg:$0x3] =	wrdreg s18  }
0xb2: {  	[dreg:$0x4] =	wrdreg s24  }
0xb3: {  	[dreg:$0x5] =	wrdreg s4  }
0xb4: {  	[dreg:$0x6] =	wrdreg $0x9  }
0xb5: {  	_ =	task.clear_ibuf [dreg:s9], $0x7FFFF;
	_ =	strace $0x90000046  }
0xb6: {  	s29 =	simm.s32 $0x9;
	_ =	strace $0x80000048  }
0xb7: {  	_ =	swait.ge [sflag:s29], $0x1  }
0xb8: {  	[sflag:s29] =	ssyncadd.s32 $0xFFFFFFFF  }
0xb9: {  	_ =	strace $0x90000048  }
0xba: {  	_ =	sfence  }
0xbb: {  	s30 =	sld [smem:$0x0];
	_ =	sdelay $0x2  }
0xbc: {  	s31 =	sshll.u32 s1, $0xD;
	s1 =	sshrl.u32 s1, $0x2  }
0xbd: {  	s3 =	sand.u32 $0x4000, s31;
	s1 =	sadd.s32 s1, s30  }
0xbe: {  	s0 =	sor.u32 s3, s0;
	s1 =	sshll.u32 s1, $0x11  }
0xbf: {  	s0 =	sor.u32 s1, s0  }
0xc0: {  	s0 =	sadd.s32 $0x8F2B, s0  }
0xc1: {  	[sflag:s0] =	ssyncadd.remote.s32 $0x1  }
0xc2: {  	_ =	sfence.sel $0xFFFF  }
0xc3: {  	[dreg:$0x0] =	wrdreg $0xFFFFFFFF;
	(pc) =	sbr.abs _section_cstart, $3  }
0xc4: {  	[dreg:$0x1] =	wrdreg $0xFFFFFFFF  }
0xc5: {  	_ =	task.clear_ibuf [dreg:s9], $0x2FFFF;
	_ =	strace $0x9FFFFFFF  }
0xc6: {  	(tm) =	ssettm $0x7FFFFFFF  }
0xc7: {  	_ =	shalt  }
tec
execute0_lowered:
.L_overlay_start_1:
0x0: {  	(tag) =	ssettag $0x1  }
0x1: {  	v0 =	vimm.s32 $0x76543210;
	v1 =	vimm.s32 $0xFEDCBA98;
	v2 =	vimm.s32 $0xBA98FEDC  }
0x2: {  	v3 =	vimm.s32 $0x32107654;
	v4 =	vimm.s32 $0xDCFE98BA;
	v5 =	vimm.s32 $0x54761032  }
0x3: {  	vm0 =	vcmask $0x2F20;
	vm1 =	vcmask $0xF00;
	vm2 =	vcmask $0x1710  }
0x4: {  	s5 =	rddreg [dreg:$0x0];
	vm3 =	vcmask $0x700;
	vm4 =	vcmask $0x300;
	v1 =	vunpack.c.l.s4.s8 v1  }
0x5: {  	s6 =	rddreg [dreg:$0x1];
	v0 =	vunpack.c.l.s4.s8 v0;
	v2 =	vunpack.c.l.s4.s8 v2;
	v3 =	vunpack.c.l.s4.s8 v3  }
0x6: {  	s4 =	rddreg [dreg:$0x2];
	v4 =	vunpack.c.l.s4.s8 v4;
	vm0 =	vmor vm1, vm0;
	v1 =	vunpack.c.0.s8.s32 v1  }
0x7: {  	s7 =	rddreg [dreg:$0x3];
	v0 =	vunpack.c.0.s8.s32 v0;
	v2 =	vunpack.c.0.s8.s32 v2;
	v3 =	vunpack.c.0.s8.s32 v3  }
0x8: {  	s0 =	rddreg [dreg:$0x4];
	s1 =	simm.s32 $0x0;
	vm1 =	vmor vm3, vm2;
	vm3 =	vcmask $0xB08;
	v1 =	vand.u32 $0xF, v1  }
0x9: {  	s8 =	srdreg.scid;
	s2 =	stileid.u32;
	s12 =	simm.s32 $0x400;
	v0 =	vcombine.low v1, v0;
	v1 =	vcombine.low v3, v2;
	v2 =	vunpack.c.l.s4.s8 v5  }
0xa: {  	s13 =	simm.s32 $0x4400;
	s14 =	simm.s32 $0x1400;
	s15 =	simm.s32 $0x280;
	vm2 =	vcmask $0x2720;
	vm3 =	vmor vm4, vm3  }
0xb: {  	s16 =	simm.s32 $0x5400;
	s18 =	simm.s32 $0x2400;
	s19 =	simm.s32 $0x300;
	vm4 =	vcmask $0x1310;
	v3 =	vunpack.c.0.s8.s32 v4;
	v2 =	vunpack.c.0.s8.s32 v2  }
0xc: {  	s20 =	simm.s32 $0x6400;
	s21 =	simm.s32 $0x180;
	s22 =	simm.s32 $0x3400;
	vm1 =	vmor vm1, vm2;
	vm2 =	vcmask $0x3730;
	vm3 =	vmor vm3, vm4  }
0xd: {  	s17 =	simm.s32 $0x100;
	s23 =	simm.s32 $0x380;
	s24 =	simm.s32 $0x7400;
	v4 =	vimm.s32 $0x67452301;
	v2 =	vcombine.low v2, v3;
	v3 =	vimm.s32 $0xEFCDAB89  }
0xe: {  	s25 =	simm.s32 $0x1;
	s26 =	simm.s32 $0x8400;
	s28 =	simm.s32 $0x0;
	vm4 =	vcmask $0x1B18;
	v4 =	vunpack.c.l.s4.s8 v4;
	v3 =	vunpack.c.l.s4.s8 v3  }
0xf: {  	[smem:$0x7FF] =	sst s1;
	s3 =	sadd.s32 $0xF42800, s4;
	s8 =	sand.u32 $0x1, s8;
	vm1 =	vmor vm1, vm2;
	vm2 =	vmor vm3, vm4  }
0x10: {  	s10 =	sshll.u32 s2, $0x7;
	s4 =	sadd.s32 $0x1313200, s4;
	s9 =	ssub.s32 $0x2, s8;
	vm3 =	vcmask $0x2320;
	v4 =	vunpack.c.0.s8.s32 v4;
	v3 =	vunpack.c.0.s8.s32 v3  }
0x11: {  	_ =	strace $0x80000047;
	s8 =	sshll.u32 s8, $0x6;
	s11 =	sshrl.u32 s9, $0x1;
	vm4 =	vcmask $0x2B28;
	vm3 =	vmor vm2, vm3;
	vm2 =	vmmov $0xff  }
0x12: {  	s8 =	sor.u32 s8, s10;
	s10 =	simm.s32 $0x200;
	s9 =	ssub.s32 s9, s11;
	vm3 =	vmor vm3, vm4;
	vm4 =	vcmask $0x3330;
	v3 =	vcombine.low v4, v3  }
0x13: {  	s5 =	sadd.s32 s5, s8;
	s6 =	sadd.s32 s6, s8;
	s7 =	sadd.s32 s7, s8;
	vm3 =	vmor vm3, vm4;
	vm4 =	vcmask $0x3B38;
	v1 =	vand.u32 $0xF, v1  }
0x14: {  	s11 =	simm.s32 $0x80;
	s8 =	smax.u32 s9, $0x1;
	s9 =	simm.s32 $0x2;
	vm3 =	vmor vm3, vm4;
	v2 =	vand.u32 $0xF, v2;
	v3 =	vand.u32 $0xF, v3  }
.LBB2_1:
0x15: {  	[tilespmem:s1], [sflag:$0x2] =	stream.linear.gather [hbm4b:s5+s1], $0x200, $0x38;
	[tilespmem:$0x8600] =	vst v63  }
0x16: {  	_ =	swait.ge [sflag:s9], $0x200  }
0x17: {  	[sflag:s9] =	ssyncset.done $0x0  }
0x18: {  	[sflag:s9] =	ssyncadd.s32 $0xFFFFFE00  }
0x19: {  	[tilespmem:s10], [sflag:$0x2] =	stream.linear.gather [hbm4b:s6+s1], $0x200, $0x38;
	[tilespmem:$0x8600] =	vst v63  }
0x1a: {  	_ =	swait.ge [sflag:s9], $0x200  }
0x1b: {  	[sflag:s9] =	ssyncset.done $0x0  }
0x1c: {  	[sflag:s9] =	ssyncadd.s32 $0xFFFFFE00  }
0x1d: {  	[tilespmem:s12], [sflag:$0x1] =	stream.indirect.gather [hbm4b:s3+s11], $0x20, s1, s11, $0xb8;
	[tilespmem:$0x8600] =	vst v63  }
0x1e: {  	_ = 	snop  }
0x1f: {  	[tilespmem:s13], [sflag:$0x1] =	stream.indirect.gather [hbm4b:s4+s11], $0x20, s10, s11, $0xb8;
	[tilespmem:$0x8600] =	vst v63  }
0x20: {  	_ = 	snop  }
0x21: {  	[tilespmem:s14], [sflag:$0x1] =	stream.indirect.gather [hbm4b:s3+s11], $0x20, s11, s11, $0xb8;
	[tilespmem:$0x8600] =	vst v63  }
0x22: {  	_ = 	snop  }
0x23: {  	[tilespmem:s16], [sflag:$0x1] =	stream.indirect.gather [hbm4b:s4+s11], $0x20, s15, s11, $0xb8;
	[tilespmem:$0x8600] =	vst v63  }
0x24: {  	_ = 	snop  }
0x25: {  	[tilespmem:s18], [sflag:$0x1] =	stream.indirect.gather [hbm4b:s3+s11], $0x20, s17, s11, $0xb8;
	[tilespmem:$0x8600] =	vst v63  }
0x26: {  	_ = 	snop  }
0x27: {  	[tilespmem:s20], [sflag:$0x1] =	stream.indirect.gather [hbm4b:s4+s11], $0x20, s19, s11, $0xb8;
	[tilespmem:$0x8600] =	vst v63  }
0x28: {  	_ = 	snop  }
0x29: {  	[tilespmem:s22], [sflag:$0x1] =	stream.indirect.gather [hbm4b:s3+s11], $0x20, s21, s11, $0xb8;
	[tilespmem:$0x8600] =	vst v63  }
0x2a: {  	_ = 	snop  }
0x2b: {  	[tilespmem:s24], [sflag:$0x1] =	stream.indirect.gather [hbm4b:s4+s11], $0x20, s23, s11, $0xb8;
	[tilespmem:$0x8600] =	vst v63  }
0x2c: {  	_ =	swait.ge [sflag:s25], $0x1000  }
0x2d: {  	[sflag:s25] =	ssyncset.done $0x0  }
0x2e: {  	[sflag:s25] =	ssyncadd.s32 $0xFFFFF000  }
0x2f: {  	_ =	swait.ge [sflag:s25], $0x1000  }
0x30: {  	[sflag:s25] =	ssyncset.done $0x0  }
0x31: {  	[sflag:s25] =	ssyncadd.s32 $0xFFFFF000  }
0x32: {  	_ =	swait.ge [sflag:s25], $0x1000  }
0x33: {  	[sflag:s25] =	ssyncset.done $0x0  }
0x34: {  	[sflag:s25] =	ssyncadd.s32 $0xFFFFF000  }
0x35: {  	_ =	swait.ge [sflag:s25], $0x1000  }
0x36: {  	[sflag:s25] =	ssyncset.done $0x0  }
0x37: {  	[sflag:s25] =	ssyncadd.s32 $0xFFFFF000  }
0x38: {  	_ =	swait.ge [sflag:s25], $0x1000  }
0x39: {  	[sflag:s25] =	ssyncset.done $0x0  }
0x3a: {  	[sflag:s25] =	ssyncadd.s32 $0xFFFFF000  }
0x3b: {  	_ =	swait.ge [sflag:s25], $0x1000  }
0x3c: {  	[sflag:s25] =	ssyncset.done $0x0  }
0x3d: {  	[sflag:s25] =	ssyncadd.s32 $0xFFFFF000  }
0x3e: {  	_ =	swait.ge [sflag:s25], $0x1000  }
0x3f: {  	[sflag:s25] =	ssyncset.done $0x0  }
0x40: {  	[sflag:s25] =	ssyncadd.s32 $0xFFFFF000  }
0x41: {  	_ =	swait.ge [sflag:s25], $0x1000  }
0x42: {  	[sflag:s25] =	ssyncset.done $0x0  }
0x43: {  	s29 =	simm.s32 $0x0;
	[sflag:s25] =	ssyncadd.s32 $0xFFFFF000  }
0x44: {  	v4 =	vld [tilespmem:s29+$0x4400]  }
0x45: {  	v5 =	vld [tilespmem:s29+$0x400]  }
0x46: {  	v6 =	vld [tilespmem:s29+$0x410]  }
0x47: {  	v7 =	vld [tilespmem:s29+$0x4410]  }
0x48: {  	v8 =	vld [tilespmem:s29+$0x500]  }
0x49: {  	v9 =	vld [tilespmem:s29+$0x4500]  }
0x4a: {  	v10 =	vld [tilespmem:s29+$0x510]  }
0x4b: {  	v11 =	vld [tilespmem:s29+$0x4510]  }
0x4c: {  	v12 =	vld [tilespmem:s29+$0x480]  }
0x4d: {  	v13 =	vld [tilespmem:s29+$0x4480]  }
0x4e: {  	v14 =	vld [tilespmem:s29+$0x490]  }
0x4f: {  	v15 =	vld [tilespmem:s29+$0x4490]  }
0x50: {  	v16 =	vld [tilespmem:s29+$0x440]  }
0x51: {  	v17 =	vld [tilespmem:s29+$0x4440]  }
0x52: {  	v18 =	vld [tilespmem:s29+$0x450]  }
0x53: {  	v19 =	vld [tilespmem:s29+$0x4450]  }
0x54: {  	v20 =	vld [tilespmem:s29+$0x420]  }
0x55: {  	v21 =	vld [tilespmem:s29+$0x4420]  }
0x56: {  	v22 =	vld [tilespmem:s29+$0x430]  }
0x57: {  	v23 =	vld [tilespmem:s29+$0x4430]  }
0x58: {  	v24 =	vld [tilespmem:s29+$0x580]  }
0x59: {  	v25 =	vld [tilespmem:s29+$0x4580]  }
0x5a: {  	v26 =	vld [tilespmem:s29+$0x590]  }
0x5b: {  	v27 =	vld [tilespmem:s29+$0x4590]  }
0x5c: {  	v28 =	vld [tilespmem:s29+$0x540]  }
0x5d: {  	v29 =	vld [tilespmem:s29+$0x4540]  }
0x5e: {  	v30 =	vld [tilespmem:s29+$0x550]  }
0x5f: {  	v31 =	vld [tilespmem:s29+$0x4550]  }
0x60: {  	v32 =	vld [tilespmem:s29+$0x4C0]  }
0x61: {  	v33 =	vld [tilespmem:s29+$0x44C0]  }
0x62: {  	v34 =	vld [tilespmem:s29+$0x4D0]  }
0x63: {  	v35 =	vld [tilespmem:s29+$0x44D0]  }
0x64: {  	v36 =	vld [tilespmem:s29+$0x520]  }
0x65: {  	v37 =	vld [tilespmem:s29+$0x4520]  }
0x66: {  	v38 =	vld [tilespmem:s29+$0x530]  }
0x67: {  	v39 =	vld [tilespmem:s29+$0x460]  }
0x68: {  	v40 =	vld [tilespmem:s29+$0x4460]  }
0x69: {  	v42 =	vld [tilespmem:s29+$0x5C0]  }
0x6a: {  	v61 =	vld [tilespmem:s29+$0x45C0]  }
0x6b: {  	v43 =	vld [tilespmem:s29+$0x5D0]  }
0x6c: {  	v63 =	vld [tilespmem:s29+$0x5E0]  }
0x6d: {  	v45 =	vld [tilespmem:s29+$0x44F0];
	v8 =	vmul.f32 v9, v8;
	v9 =	vmul.f32 v11, v10  }
0x6e: {  	v10 =	vld [tilespmem:s29+$0x4530];
	v4 =	vmul.f32 v4, v5;
	v5 =	vmul.f32 v7, v6  }
0x6f: {  	v11 =	vld [tilespmem:s29+$0x4A0];
	v24 =	vmul.f32 v25, v24;
	v25 =	vmul.f32 v27, v26  }
0x70: {  	v6 =	vld [tilespmem:s29+$0x44A0];
	v12 =	vmul.f32 v13, v12;
	v13 =	vmul.f32 v15, v14  }
0x71: {  	v26 =	vld [tilespmem:s29+$0x5A0];
	v15 =	vmul.f32 v17, v16;
	v16 =	vmul.f32 v19, v18  }
0x72: {  	v14 =	vld [tilespmem:s29+$0x45A0];
	v19 =	vmul.f32 v21, v20;
	v20 =	vmul.f32 v23, v22  }
0x73: {  	v18 =	vld [tilespmem:s29+$0x5B0];
	v22 =	vmul.f32 v31, v30;
	v62 =	vmul.f32 v35, v34  }
0x74: {  	v21 =	vld [tilespmem:s29+$0x45B0];
	v47 =	vmul.f32 v61, v42;
	v7 =	vadd.f32 v9, v8;
	v4 =	vadd.f32 v5, v4  }
0x75: {  	v23 =	vld [tilespmem:s29+$0x4560];
	v17 =	vadd.f32 v25, v24;
	v19 =	vadd.f32 v20, v19;
	v20 =	vmul.f32 v29, v28  }
0x76: {  	v8 =	vld [tilespmem:s29+$0x4B0];
	v12 =	vadd.f32 v13, v12;
	v24 =	vmul.f32 v37, v36;
	v29 =	vmul.f32 v33, v32  }
0x77: {  	v5 =	vld [tilespmem:s29+$0x44B0];
	v9 =	vperm.xlane v7, v0;
	v41 =	vperm.xlane v4, v0  }
0x78: {  	v15 =	vadd.f32 v16, v15;
	v13 =	vld [tilespmem:s29+$0x560];
	v16 =	vperm.xlane v17, v0;
	v27 =	vperm.xlane v12, v0  }
0x79: {  	v46 =	vld [tilespmem:s29+$0x4470];
	v10 =	vmul.f32 v10, v38;
	v6 =	vmul.f32 v6, v11  }
0x7a: {  	v30 =	vld [tilespmem:s29+$0x44E0];
	v14 =	vmul.f32 v14, v26;
	v18 =	vmul.f32 v21, v18;
	v7 =	vadd.f32 v9, v7  }
0x7b: {  	v25 =	vld [tilespmem:s29+$0x570];
	v16 =	vadd.f32 v16, v17;
	v17 =	vadd.f32 v22, v20;
	v22 =	vperm.xlane v15, v0  }
0x7c: {  	v28 =	vld [tilespmem:s29+$0x4E0];
	v10 =	vadd.f32 v10, v24;
	v24 =	vperm.xlane v19, v0;
	v5 =	vmul.f32 v5, v8  }
0x7d: {  	v4 =	vadd.f32 v41, v4;
	v20 =	vld [tilespmem:s29+$0x4570];
	v13 =	vmul.f32 v23, v13;
	v7 =	vperm.xlane v7, v0  }
0x7e: {  	v12 =	vadd.f32 v27, v12;
	v8 =	vld [tilespmem:s29+$0x45E0];
	v16 =	vperm.xlane v16, v0;
	v31 =	vperm.xlane v17, v0  }
0x7f: {  	v27 =	vld [tilespmem:s29+$0x5F0];
	v15 =	vadd.f32 v22, v15;
	v38 =	vperm.xlane v10, v0;
	v5 =	vadd.f32 v5, v6  }
0x80: {  	v6 =	vld [tilespmem:s29+$0x45F0];
	v4 =	vsel vm2, v4, v7;
	v11 =	vadd.f32 v31, v17;
	v12 =	vsel vm2, v12, v16  }
0x81: {  	v7 =	vld [tilespmem:s29+$0x45D0];
	v17 =	vadd.f32 v62, v29;
	v44 =	vperm.xlane v4, v1;
	v16 =	vperm.xlane v12, v1  }
0x82: {  	v29 =	vld [tilespmem:s29+$0x4F0];
	v10 =	vadd.f32 v38, v10;
	v22 =	vperm.xlane v5, v0;
	v11 =	vperm.xlane v11, v0  }
0x83: {  	v9 =	vld [tilespmem:s29+$0x470];
	v19 =	vadd.f32 v24, v19;
	v31 =	vperm.xlane v17, v0;
	v8 =	vmul.f32 v8, v63  }
0x84: {  	v10 =	vperm.xlane v10, v0;
	v4 =	vadd.f32 v44, v4;
	v44 =	vmul.f32 v40, v39  }
0x85: {  	v12 =	vadd.f32 v16, v12;
	v6 =	vmul.f32 v6, v27;
	v11 =	vsel vm2, v15, v11  }
0x86: {  	v15 =	vmul.f32 v20, v25;
	v16 =	vadd.f32 v31, v17;
	v17 =	vmul.f32 v30, v28  }
0x87: {  	v7 =	vmul.f32 v7, v43;
	v20 =	vmul.f32 v45, v29;
	v6 =	vadd.f32 v6, v8  }
0x88: {  	v8 =	vmul.f32 v46, v9;
	v9 =	vadd.f32 v18, v14;
	v13 =	vadd.f32 v15, v13  }
0x89: {  	v7 =	vadd.f32 v7, v47;
	v14 =	vadd.f32 v20, v17;
	v15 =	vperm.xlane v6, v0  }
0x8a: {  	v8 =	vadd.f32 v8, v44;
	v17 =	vperm.xlane v9, v0;
	v20 =	vperm.xlane v13, v0  }
0x8b: {  	v18 =	vperm.xlane v7, v0;
	v21 =	vperm.xlane v14, v0;
	v6 =	vadd.f32 v15, v6  }
0x8c: {  	v15 =	vperm.xlane v8, v0;
	v9 =	vadd.f32 v17, v9;
	v13 =	vadd.f32 v20, v13  }
0x8d: {  	v7 =	vadd.f32 v18, v7;
	v14 =	vadd.f32 v21, v14;
	v6 =	vperm.xlane v6, v0  }
0x8e: {  	v5 =	vadd.f32 v22, v5;
	v8 =	vadd.f32 v15, v8;
	v9 =	vperm.xlane v9, v0  }
0x8f: {  	v13 =	vperm.xlane v13, v0;
	v7 =	vperm.xlane v7, v0;
	v6 =	vsel vm2, v14, v6  }
0x90: {  	v10 =	vsel vm2, v19, v10;
	v5 =	vsel vm2, v5, v9;
	v14 =	vperm.xlane v6, v1  }
0x91: {  	v8 =	vsel vm2, v8, v13;
	v7 =	vsel vm2, v16, v7;
	v13 =	vperm.xlane v5, v1  }
0x92: {  	v15 =	vperm.xlane v8, v1;
	v9 =	vperm.xlane v7, v1;
	v6 =	vadd.f32 v14, v6  }
0x93: {  	v16 =	vperm.xlane v11, v1;
	v14 =	vperm.xlane v10, v1;
	v5 =	vadd.f32 v13, v5  }
0x94: {  	v8 =	vadd.f32 v15, v8;
	v7 =	vadd.f32 v9, v7;
	v6 =	vperm.xlane v6, v1  }
0x95: {  	v11 =	vadd.f32 v16, v11;
	v9 =	vperm.xlane v12, v1;
	v10 =	vadd.f32 v14, v10  }
0x96: {  	v5 =	vperm.xlane v5, v1;
	v7 =	vperm.xlane v7, v1;
	v6 =	vsel vm0, v8, v6  }
0x97: {  	v8 =	vperm.xlane v6, v2  }
0x98: {  	v4 =	vsel vm0, v4, v9;
	v5 =	vsel vm0, v10, v5;
	v7 =	vsel vm0, v11, v7  }
0x99: {  	v10 =	vperm.xlane v5, v2;
	v9 =	vperm.xlane v7, v2;
	v6 =	vadd.f32 v8, v6  }
0x9a: {  	v8 =	vperm.xlane v4, v2  }
0x9b: {  	v5 =	vadd.f32 v10, v5;
	v7 =	vadd.f32 v9, v7;
	v6 =	vperm.xlane v6, v2;
	_ =	sdelay $0x1  }
0x9c: {  	v4 =	vadd.f32 v8, v4;
	v7 =	vperm.xlane v7, v2;
	v5 =	vsel vm1, v5, v6  }
0x9d: {  	v6 =	vperm.xlane v5, v3  }
0x9e: {  	v4 =	vsel vm1, v4, v7  }
0x9f: {  	v7 =	vperm.xlane v4, v3;
	v5 =	vadd.f32 v6, v5;
	_ =	sdelay $0x1  }
0xa0: {  	v4 =	vadd.f32 v7, v4;
	v5 =	vperm.xlane v5, v3;
	_ =	sdelay $0x1  }
0xa1: {  	v4 =	vsel vm3, v4, v5  }
0xa2: {  	v4 =	vsub.f32 $0.0e+00, v4;
	_ =	sdelay $0x1  }
0xa3: {  	v4 =	vmul.f32 $1.442695020e+00, v4;
	_ =	sdelay $0x1  }
0xa4: {  	(erf) = vpow2.f32 v4;
	_ =	sdelay $0x8  }
0xa5: {  	v4 =	vpop (erf)  }
0xa6: {  	v4 =	vadd.f32 $1.000000000e+00, v4;
	_ =	sdelay $0x1  }
0xa7: {  	(erf) = vrcp.f32 v4;
	_ =	sdelay $0x8  }
0xa8: {  	v4 =	vpop (erf)  }
0xa9: {  	s31 =	simm.s32 $0x200;
	[tilespmem:s26+$0x0] =	vst v4  }
0xaa: {  	v4 =	vld [tilespmem:s31+$0x4400]  }
0xab: {  	v5 =	vld [tilespmem:s31+$0x400]  }
0xac: {  	v6 =	vld [tilespmem:s31+$0x410]  }
0xad: {  	v7 =	vld [tilespmem:s31+$0x4410]  }
0xae: {  	v8 =	vld [tilespmem:s31+$0x500]  }
0xaf: {  	v9 =	vld [tilespmem:s31+$0x4500]  }
0xb0: {  	v10 =	vld [tilespmem:s31+$0x510]  }
0xb1: {  	v11 =	vld [tilespmem:s31+$0x4510]  }
0xb2: {  	v12 =	vld [tilespmem:s31+$0x480]  }
0xb3: {  	v15 =	vld [tilespmem:s31+$0x4480]  }
0xb4: {  	v16 =	vld [tilespmem:s31+$0x490]  }
0xb5: {  	v17 =	vld [tilespmem:s31+$0x4490]  }
0xb6: {  	v18 =	vld [tilespmem:s31+$0x440]  }
0xb7: {  	v19 =	vld [tilespmem:s31+$0x4440]  }
0xb8: {  	v20 =	vld [tilespmem:s31+$0x450]  }
0xb9: {  	v21 =	vld [tilespmem:s31+$0x4450]  }
0xba: {  	v22 =	vld [tilespmem:s31+$0x420]  }
0xbb: {  	v23 =	vld [tilespmem:s31+$0x4420]  }
0xbc: {  	v24 =	vld [tilespmem:s31+$0x430]  }
0xbd: {  	v25 =	vld [tilespmem:s31+$0x4430]  }
0xbe: {  	v26 =	vld [tilespmem:s31+$0x580]  }
0xbf: {  	v27 =	vld [tilespmem:s31+$0x4580]  }
0xc0: {  	v28 =	vld [tilespmem:s31+$0x590]  }
0xc1: {  	v29 =	vld [tilespmem:s31+$0x4590]  }
0xc2: {  	v30 =	vld [tilespmem:s31+$0x540]  }
0xc3: {  	v31 =	vld [tilespmem:s31+$0x4540]  }
0xc4: {  	v48 =	vld [tilespmem:s31+$0x550]  }
0xc5: {  	v49 =	vld [tilespmem:s31+$0x4550]  }
0xc6: {  	v50 =	vld [tilespmem:s31+$0x4C0]  }
0xc7: {  	v51 =	vld [tilespmem:s31+$0x44C0]  }
0xc8: {  	v52 =	vld [tilespmem:s31+$0x4D0]  }
0xc9: {  	v53 =	vld [tilespmem:s31+$0x44D0]  }
0xca: {  	v54 =	vld [tilespmem:s31+$0x520]  }
0xcb: {  	v55 =	vld [tilespmem:s31+$0x4520]  }
0xcc: {  	v56 =	vld [tilespmem:s31+$0x530]  }
0xcd: {  	v57 =	vld [tilespmem:s31+$0x4530]  }
0xce: {  	v58 =	vld [tilespmem:s31+$0x4A0]  }
0xcf: {  	v59 =	vld [tilespmem:s31+$0x44A0]  }
0xd0: {  	v60 =	vld [tilespmem:s31+$0x4B0];
	v8 =	vmul.f32 v9, v8  }
0xd1: {  	v45 =	vld [tilespmem:s31+$0x44B0];
	v9 =	vmul.f32 v11, v10;
	v4 =	vmul.f32 v4, v5  }
0xd2: {  	v5 =	vmul.f32 v7, v6;
	v7 =	vld [tilespmem:s31+$0x4460];
	v26 =	vmul.f32 v27, v26  }
0xd3: {  	v27 =	vmul.f32 v29, v28;
	v28 =	vmul.f32 v15, v12;
	v12 =	vld [tilespmem:s31+$0x45A0]  }
0xd4: {  	v16 =	vmul.f32 v17, v16;
	v18 =	vmul.f32 v19, v18;
	v15 =	vld [tilespmem:s31+$0x5B0]  }
0xd5: {  	v19 =	vmul.f32 v21, v20;
	v20 =	vmul.f32 v23, v22;
	v17 =	vld [tilespmem:s31+$0x45B0]  }
0xd6: {  	v23 =	vmul.f32 v25, v24;
	v6 =	vadd.f32 v9, v8;
	v8 =	vadd.f32 v5, v4;
	v5 =	vld [tilespmem:s31+$0x460]  }
0xd7: {  	v25 =	vmul.f32 v49, v48;
	v28 =	vadd.f32 v16, v28;
	v16 =	vld [tilespmem:s31+$0x560]  }
0xd8: {  	v22 =	vadd.f32 v19, v18;
	v20 =	vadd.f32 v23, v20;
	v23 =	vmul.f32 v31, v30;
	v18 =	vld [tilespmem:s31+$0x4560]  }
0xd9: {  	v29 =	vmul.f32 v57, v56;
	v21 =	vadd.f32 v27, v26;
	v27 =	vmul.f32 v55, v54;
	v19 =	vld [tilespmem:s31+$0x570]  }
0xda: {  	v30 =	vadd.f32 v25, v23;
	v23 =	vld [tilespmem:s31+$0x4E0]  }
0xdb: {  	v4 =	vperm.xlane v6, v0;
	v38 =	vadd.f32 v29, v27;
	v27 =	vld [tilespmem:s31+$0x5E0]  }
0xdc: {  	v29 =	vld [tilespmem:s31+$0x45E0]  }
0xdd: {  	v9 =	vperm.xlane v8, v0;
	v10 =	vadd.f32 v4, v6;
	v4 =	vld [tilespmem:s31+$0x470]  }
0xde: {  	v35 =	vmul.f32 v51, v50;
	v24 =	vperm.xlane v21, v0;
	v6 =	vld [tilespmem:s31+$0x5C0]  }
0xdf: {  	v36 =	vmul.f32 v53, v52;
	v32 =	vmul.f32 v59, v58;
	v11 =	vadd.f32 v9, v8;
	v8 =	vld [tilespmem:s31+$0x45C0]  }
0xe0: {  	v33 =	vmul.f32 v45, v60;
	v26 =	vperm.xlane v22, v0;
	v9 =	vld [tilespmem:s31+$0x5D0];
	v24 =	vadd.f32 v24, v21  }
0xe1: {  	v31 =	vperm.xlane v28, v0;
	v21 =	vld [tilespmem:s31+$0x4570];
	v62 =	vperm.xlane v30, v0  }
0xe2: {  	v10 =	vperm.xlane v10, v0;
	v61 =	vperm.xlane v24, v0;
	v24 =	vld [tilespmem:s31+$0x44E0]  }
0xe3: {  	v63 =	vperm.xlane v38, v0;
	v31 =	vadd.f32 v31, v28;
	v34 =	vadd.f32 v62, v30;
	v30 =	vld [tilespmem:s31+$0x5F0]  }
0xe4: {  	v25 =	vperm.xlane v20, v0;
	v28 =	vadd.f32 v36, v35;
	v13 =	vsel vm2, v11, v10;
	v10 =	vld [tilespmem:s31+$0x45D0]  }
0xe5: {  	s30 =	simm.s32 $0x1000;
	s29 =	simm.s32 $0x8400;
	v35 =	vadd.f32 v63, v38;
	v11 =	vld [tilespmem:s31+$0x5A0];
	v31 =	vsel vm2, v31, v61;
	v14 =	vperm.xlane v13, v1  }
.LBB2_2:
0xe6: {  	p0 =	sne.s32 s30, $0xF800;
	v32 =	vadd.f32 v33, v32;
	v33 =	vld [tilespmem:s31+$0x45F0];
	v34 =	vperm.xlane v34, v0;
	v36 =	vperm.xlane v31, v1  }
0xe7: {  	v13 =	vadd.f32 v14, v13;
	v37 =	vld [tilespmem:s31+$0x4F0];
	v35 =	vperm.xlane v35, v0;
	v38 =	vperm.xlane v28, v0  }
0xe8: {  	v5 =	vmul.f32 v7, v5;
	v14 =	vadd.f32 v26, v22;
	v7 =	vld [tilespmem:s31+$0x44F0];
	v22 =	vperm.xlane v32, v0  }
0xe9: {  	v6 =	vmul.f32 v8, v6;
	v8 =	vmul.f32 v10, v9;
	v9 =	vadd.f32 v25, v20;
	v26 =	vld [tilespmem:s31+$0x4470]  }
0xea: {  	v10 =	vmul.f32 v12, v11;
	v11 =	vmul.f32 v17, v15;
	v12 =	vadd.f32 v36, v31  }
0xeb: {  	v14 =	vsel vm2, v14, v34;
	v15 =	vmul.f32 v29, v27;
	v17 =	vmul.f32 v33, v30  }
0xec: {  	v16 =	vmul.f32 v18, v16;
	v18 =	vmul.f32 v21, v19;
	v19 =	vadd.f32 v38, v28  }
0xed: {  	v20 =	vmul.f32 v24, v23;
	v7 =	vmul.f32 v7, v37;
	v15 =	vadd.f32 v17, v15  }
0xee: {  	v10 =	vadd.f32 v11, v10;
	v6 =	vadd.f32 v8, v6;
	v4 =	vmul.f32 v26, v4  }
0xef: {  	v8 =	vadd.f32 v18, v16;
	v7 =	vadd.f32 v7, v20;
	v11 =	vperm.xlane v15, v0  }
0xf0: {  	v16 =	vperm.xlane v6, v0;
	v4 =	vadd.f32 v4, v5;
	v5 =	vperm.xlane v10, v0  }
0xf1: {  	v17 =	vperm.xlane v8, v0;
	v18 =	vperm.xlane v7, v0;
	v11 =	vadd.f32 v11, v15  }
0xf2: {  	v6 =	vadd.f32 v16, v6;
	v15 =	vperm.xlane v4, v0;
	v5 =	vadd.f32 v5, v10  }
0xf3: {  	v8 =	vadd.f32 v17, v8;
	v7 =	vadd.f32 v18, v7;
	v10 =	vperm.xlane v11, v0  }
0xf4: {  	v6 =	vperm.xlane v6, v0;
	v11 =	vadd.f32 v22, v32;
	v4 =	vadd.f32 v15, v4  }
0xf5: {  	v8 =	vperm.xlane v8, v0;
	v5 =	vperm.xlane v5, v0;
	v7 =	vsel vm2, v7, v10  }
0xf6: {  	v9 =	vsel vm2, v9, v35;
	v6 =	vsel vm2, v19, v6;
	v10 =	vperm.xlane v7, v1  }
0xf7: {  	v4 =	vsel vm2, v4, v8;
	v5 =	vsel vm2, v11, v5;
	v8 =	vperm.xlane v6, v1  }
0xf8: {  	v11 =	vperm.xlane v5, v1;
	v15 =	vperm.xlane v4, v1;
	v7 =	vadd.f32 v10, v7  }
0xf9: {  	v16 =	vperm.xlane v14, v1;
	v10 =	vperm.xlane v9, v1;
	v6 =	vadd.f32 v8, v6  }
0xfa: {  	v5 =	vadd.f32 v11, v5;
	v4 =	vadd.f32 v15, v4;
	v7 =	vperm.xlane v7, v1  }
0xfb: {  	v8 =	vperm.xlane v12, v1;
	v9 =	vadd.f32 v10, v9;
	v10 =	vadd.f32 v16, v14  }
0xfc: {  	v6 =	vperm.xlane v6, v1;
	v5 =	vperm.xlane v5, v1;
	v4 =	vsel vm0, v4, v7  }
0xfd: {  	v7 =	vperm.xlane v4, v2  }
0xfe: {  	v8 =	vsel vm0, v13, v8;
	v6 =	vsel vm0, v10, v6;
	v5 =	vsel vm0, v9, v5  }
0xff: {  	v9 =	vperm.xlane v6, v2;
	v10 =	vperm.xlane v5, v2;
	v4 =	vadd.f32 v7, v4  }
0x100: {  	v7 =	vperm.xlane v8, v2  }
0x101: {  	v6 =	vadd.f32 v9, v6;
	v5 =	vadd.f32 v10, v5;
	v4 =	vperm.xlane v4, v2;
	_ =	sdelay $0x1  }
0x102: {  	v7 =	vadd.f32 v7, v8;
	v6 =	vperm.xlane v6, v2;
	v4 =	vsel vm1, v5, v4  }
0x103: {  	v5 =	vperm.xlane v4, v3  }
0x104: {  	v6 =	vsel vm1, v7, v6  }
0x105: {  	v7 =	vperm.xlane v6, v3;
	v4 =	vadd.f32 v5, v4;
	_ =	sdelay $0x1  }
0x106: {  	v5 =	vadd.f32 v7, v6;
	v4 =	vperm.xlane v4, v3;
	_ =	sdelay $0x1  }
0x107: {  	v4 =	vsel vm3, v5, v4  }
0x108: {  	v4 =	vsub.f32 $0.0e+00, v4;
	_ =	sdelay $0x1  }
0x109: {  	v4 =	vmul.f32 $1.442695020e+00, v4;
	_ =	sdelay $0x1  }
0x10a: {  	(erf) = vpow2.f32 v4;
	_ =	sdelay $0x8  }
0x10b: {  	v4 =	vpop (erf)  }
0x10c: {  	v4 =	vadd.f32 $1.000000000e+00, v4;
	_ =	sdelay $0x1  }
0x10d: {  	(erf) = vrcp.f32 v4;
	_ =	sdelay $0x8  }
0x10e: {  	s29 =	sadd.s32 $0x10, s29;
	v4 =	vpop (erf)  }
0x10f: {  	s31 =	sshra.s32 s30, $0x2;
	[tilespmem:s29+$0x0] =	vst v4  }
0x110: {  	v4 =	vld [tilespmem:s31+$0x4400]  }
0x111: {  	v5 =	vld [tilespmem:s31+$0x400]  }
0x112: {  	v6 =	vld [tilespmem:s31+$0x410]  }
0x113: {  	v7 =	vld [tilespmem:s31+$0x4410]  }
0x114: {  	v8 =	vld [tilespmem:s31+$0x500]  }
0x115: {  	v9 =	vld [tilespmem:s31+$0x4500]  }
0x116: {  	v10 =	vld [tilespmem:s31+$0x510]  }
0x117: {  	v11 =	vld [tilespmem:s31+$0x4510]  }
0x118: {  	v12 =	vld [tilespmem:s31+$0x480]  }
0x119: {  	v15 =	vld [tilespmem:s31+$0x4480]  }
0x11a: {  	v16 =	vld [tilespmem:s31+$0x490]  }
0x11b: {  	v17 =	vld [tilespmem:s31+$0x4490]  }
0x11c: {  	v18 =	vld [tilespmem:s31+$0x440]  }
0x11d: {  	v19 =	vld [tilespmem:s31+$0x4440]  }
0x11e: {  	v20 =	vld [tilespmem:s31+$0x450]  }
0x11f: {  	v21 =	vld [tilespmem:s31+$0x4450]  }
0x120: {  	v22 =	vld [tilespmem:s31+$0x420]  }
0x121: {  	v23 =	vld [tilespmem:s31+$0x4420]  }
0x122: {  	v24 =	vld [tilespmem:s31+$0x430]  }
0x123: {  	v25 =	vld [tilespmem:s31+$0x4430]  }
0x124: {  	v26 =	vld [tilespmem:s31+$0x580]  }
0x125: {  	v27 =	vld [tilespmem:s31+$0x4580]  }
0x126: {  	v28 =	vld [tilespmem:s31+$0x590]  }
0x127: {  	v29 =	vld [tilespmem:s31+$0x4590]  }
0x128: {  	v30 =	vld [tilespmem:s31+$0x540]  }
0x129: {  	v31 =	vld [tilespmem:s31+$0x4540]  }
0x12a: {  	v32 =	vld [tilespmem:s31+$0x550]  }
0x12b: {  	v33 =	vld [tilespmem:s31+$0x4550]  }
0x12c: {  	v34 =	vld [tilespmem:s31+$0x4C0]  }
0x12d: {  	v35 =	vld [tilespmem:s31+$0x44C0]  }
0x12e: {  	v36 =	vld [tilespmem:s31+$0x4D0]  }
0x12f: {  	v37 =	vld [tilespmem:s31+$0x44D0]  }
0x130: {  	v38 =	vld [tilespmem:s31+$0x520]  }
0x131: {  	v39 =	vld [tilespmem:s31+$0x4520]  }
0x132: {  	v40 =	vld [tilespmem:s31+$0x530]  }
0x133: {  	v8 =	vmul.f32 v9, v8;
	v9 =	vmul.f32 v11, v10;
	v41 =	vld [tilespmem:s31+$0x4530]  }
0x134: {  	v42 =	vld [tilespmem:s31+$0x4A0]  }
0x135: {  	v4 =	vmul.f32 v4, v5;
	v5 =	vmul.f32 v7, v6;
	v6 =	vadd.f32 v9, v8;
	v43 =	vld [tilespmem:s31+$0x44A0]  }
0x136: {  	v44 =	vld [tilespmem:s31+$0x4B0]  }
0x137: {  	v8 =	vadd.f32 v5, v4;
	v4 =	vperm.xlane v6, v0;
	v45 =	vld [tilespmem:s31+$0x44B0]  }
0x138: {  	v5 =	vld [tilespmem:s31+$0x460]  }
0x139: {  	v9 =	vperm.xlane v8, v0;
	v10 =	vadd.f32 v4, v6;
	v7 =	vld [tilespmem:s31+$0x4460]  }
0x13a: {  	v4 =	vld [tilespmem:s31+$0x470]  }
0x13b: {  	v11 =	vadd.f32 v9, v8;
	v10 =	vperm.xlane v10, v0;
	v6 =	vld [tilespmem:s31+$0x5C0]  }
0x13c: {  	v8 =	vld [tilespmem:s31+$0x45C0]  }
0x13d: {  	v13 =	vsel vm2, v11, v10;
	v9 =	vld [tilespmem:s31+$0x5D0]  }
0x13e: {  	v14 =	vperm.xlane v13, v1;
	v10 =	vld [tilespmem:s31+$0x45D0]  }
0x13f: {  	v26 =	vmul.f32 v27, v26;
	v27 =	vmul.f32 v29, v28;
	v11 =	vld [tilespmem:s31+$0x5A0]  }
0x140: {  	v16 =	vmul.f32 v17, v16;
	v28 =	vmul.f32 v15, v12;
	v12 =	vld [tilespmem:s31+$0x45A0]  }
0x141: {  	v18 =	vmul.f32 v19, v18;
	v19 =	vmul.f32 v21, v20;
	v21 =	vadd.f32 v27, v26;
	v15 =	vld [tilespmem:s31+$0x5B0]  }
0x142: {  	v20 =	vmul.f32 v23, v22;
	v23 =	vmul.f32 v25, v24;
	v17 =	vld [tilespmem:s31+$0x45B0]  }
0x143: {  	v22 =	vadd.f32 v19, v18;
	v28 =	vadd.f32 v16, v28;
	v24 =	vperm.xlane v21, v0;
	v16 =	vld [tilespmem:s31+$0x560]  }
0x144: {  	v20 =	vadd.f32 v23, v20;
	v23 =	vmul.f32 v31, v30;
	v25 =	vmul.f32 v33, v32;
	v18 =	vld [tilespmem:s31+$0x4560]  }
0x145: {  	v24 =	vadd.f32 v24, v21;
	v27 =	vmul.f32 v39, v38;
	v29 =	vmul.f32 v41, v40;
	v19 =	vld [tilespmem:s31+$0x570]  }
0x146: {  	v26 =	vperm.xlane v22, v0;
	v31 =	vperm.xlane v28, v0;
	v30 =	vadd.f32 v25, v23;
	v21 =	vld [tilespmem:s31+$0x4570]  }
.Ltmp0:
0x147: {  	v25 =	vperm.xlane v20, v0;
	v39 =	vperm.xlane v24, v0;
	v38 =	vadd.f32 v29, v27;
	v23 =	vld [tilespmem:s31+$0x4E0];
	(pc) =	sbr.rel @p0 .LBB2_2-.Ltmp0, $4  }
0x148: {  	v35 =	vmul.f32 v35, v34;
	v34 =	vperm.xlane v30, v0;
	v24 =	vld [tilespmem:s31+$0x44E0]  }
0x149: {  	v31 =	vadd.f32 v31, v28;
	v36 =	vmul.f32 v37, v36;
	v37 =	vperm.xlane v38, v0;
	v27 =	vld [tilespmem:s31+$0x5E0]  }
0x14a: {  	v34 =	vadd.f32 v34, v30;
	v32 =	vmul.f32 v43, v42;
	v33 =	vmul.f32 v45, v44;
	v29 =	vld [tilespmem:s31+$0x45E0]  }
0x14b: {  	s30 =	sadd.s32 $0x800, s30;
	v28 =	vadd.f32 v36, v35;
	v31 =	vsel vm2, v31, v39;
	v35 =	vadd.f32 v37, v38;
	v30 =	vld [tilespmem:s31+$0x5F0]  }
0x14c: {  	v34 =	vperm.xlane v34, v0;
	v36 =	vperm.xlane v31, v1  }
0x14d: {  	v58 =	vld [tilespmem:s31+$0x45F0];
	v5 =	vmul.f32 v7, v5;
	v6 =	vmul.f32 v8, v6  }
0x14e: {  	v37 =	vld [tilespmem:s31+$0x4F0];
	v63 =	vmul.f32 v10, v9;
	v39 =	vmul.f32 v12, v11  }
0x14f: {  	v32 =	vadd.f32 v33, v32;
	v59 =	vld [tilespmem:s31+$0x44F0];
	v40 =	vmul.f32 v17, v15;
	v16 =	vmul.f32 v18, v16  }
0x150: {  	v13 =	vadd.f32 v14, v13;
	v62 =	vld [tilespmem:s31+$0x4470];
	v44 =	vmul.f32 v21, v19;
	v35 =	vperm.xlane v35, v0  }
0x151: {  	v60 =	vadd.f32 v26, v22;
	v38 =	vperm.xlane v28, v0;
	v46 =	vmul.f32 v24, v23  }
0x152: {  	v25 =	vadd.f32 v25, v20;
	v42 =	vmul.f32 v29, v27;
	v43 =	vmul.f32 v58, v30  }
0x153: {  	v61 =	vperm.xlane v32, v0;
	v41 =	vadd.f32 v36, v31;
	v14 =	vsel vm2, v60, v34  }
0x154: {  	v10 =	vadd.f32 v40, v39;
	v7 =	vmul.f32 v59, v37;
	v15 =	vadd.f32 v43, v42  }
0x155: {  	v6 =	vadd.f32 v63, v6;
	v47 =	vadd.f32 v44, v16;
	v4 =	vmul.f32 v62, v4  }
0x156: {  	v45 =	vadd.f32 v38, v28;
	v7 =	vadd.f32 v7, v46;
	v48 =	vperm.xlane v15, v0  }
0x157: {  	v49 =	vperm.xlane v6, v0;
	v50 =	vperm.xlane v47, v0;
	v4 =	vadd.f32 v4, v5  }
0x158: {  	v5 =	vperm.xlane v10, v0;
	v51 =	vperm.xlane v7, v0;
	v11 =	vadd.f32 v48, v15  }
0x159: {  	v6 =	vadd.f32 v49, v6;
	v8 =	vadd.f32 v50, v47;
	v52 =	vperm.xlane v4, v0  }
0x15a: {  	v5 =	vadd.f32 v5, v10;
	v7 =	vadd.f32 v51, v7;
	v53 =	vperm.xlane v11, v0  }
0x15b: {  	v54 =	vadd.f32 v61, v32;
	v6 =	vperm.xlane v6, v0;
	v8 =	vperm.xlane v8, v0  }
0x15c: {  	v4 =	vadd.f32 v52, v4;
	v5 =	vperm.xlane v5, v0;
	v7 =	vsel vm2, v7, v53  }
0x15d: {  	v9 =	vsel vm2, v25, v35;
	v6 =	vsel vm2, v45, v6;
	v10 =	vperm.xlane v7, v1  }
0x15e: {  	v55 =	vperm.xlane v6, v1;
	v4 =	vsel vm2, v4, v8;
	v5 =	vsel vm2, v54, v5  }
0x15f: {  	v11 =	vperm.xlane v5, v1;
	v56 =	vperm.xlane v4, v1;
	v7 =	vadd.f32 v10, v7  }
0x160: {  	v57 =	vperm.xlane v9, v1;
	v58 =	vperm.xlane v14, v1;
	v6 =	vadd.f32 v55, v6  }
0x161: {  	v5 =	vadd.f32 v11, v5;
	v4 =	vadd.f32 v56, v4;
	v7 =	vperm.xlane v7, v1  }
0x162: {  	v59 =	vperm.xlane v41, v1;
	v9 =	vadd.f32 v57, v9;
	v60 =	vadd.f32 v58, v14  }
0x163: {  	v6 =	vperm.xlane v6, v1;
	v5 =	vperm.xlane v5, v1;
	v4 =	vsel vm0, v4, v7  }
0x164: {  	v7 =	vperm.xlane v4, v2  }
0x165: {  	v8 =	vsel vm0, v13, v59;
	v6 =	vsel vm0, v60, v6;
	v5 =	vsel vm0, v9, v5  }
0x166: {  	v61 =	vperm.xlane v6, v2;
	v62 =	vperm.xlane v5, v2;
	v4 =	vadd.f32 v7, v4  }
0x167: {  	v63 =	vperm.xlane v8, v2  }
0x168: {  	v6 =	vadd.f32 v61, v6;
	v5 =	vadd.f32 v62, v5;
	v4 =	vperm.xlane v4, v2;
	_ =	sdelay $0x1  }
0x169: {  	v6 =	vperm.xlane v6, v2;
	v7 =	vadd.f32 v63, v8;
	v4 =	vsel vm1, v5, v4  }
0x16a: {  	v5 =	vperm.xlane v4, v3  }
0x16b: {  	v6 =	vsel vm1, v7, v6  }
0x16c: {  	v7 =	vperm.xlane v6, v3;
	v4 =	vadd.f32 v5, v4;
	_ =	sdelay $0x1  }
0x16d: {  	v5 =	vadd.f32 v7, v6;
	v4 =	vperm.xlane v4, v3;
	_ =	sdelay $0x1  }
0x16e: {  	v4 =	vsel vm3, v5, v4  }
0x16f: {  	v4 =	vsub.f32 $0.0e+00, v4;
	_ =	sdelay $0x1  }
0x170: {  	v4 =	vmul.f32 $1.442695020e+00, v4;
	_ =	sdelay $0x1  }
0x171: {  	(erf) = vpow2.f32 v4;
	_ =	sdelay $0x8  }
0x172: {  	v4 =	vpop (erf)  }
0x173: {  	v4 =	vadd.f32 $1.000000000e+00, v4;
	_ =	sdelay $0x1  }
0x174: {  	(erf) = vrcp.f32 v4;
	_ =	sdelay $0x7  }
0x175: {  	s28 =	sadd.s32 $0x1, s28  }
0x176: {  	s29 =	sadd.s32 $0x10, s29;
	p0 =	sne.s32 s28, s8;
	v4 =	vpop (erf)  }
.Ltmp1:
0x177: {  	[tilespmem:s29+$0x0] =	vst v4;
	(pc) =	sbr.rel @p0 .LBB2_1-.Ltmp1, $4  }
0x178: {  	[hbm4b:s7+s1] =	stream.linear.scatter [tilespmem:s26], [sflag:$0x2], $0x200, $0x38;
	[tilespmem:$0x8600] =	vst v63  }
0x179: {  	_ =	swait.ge [sflag:s9], $0x200  }
0x17a: {  	[sflag:s9] =	ssyncset.done $0x0  }
0x17b: {  	[sflag:s9] =	ssyncadd.s32 $0xFFFFFE00  }
0x17c: {  	_ =	sfence.sel $0x180000  }
0x17d: {  	[bflag:$0x0] =	sbarrier.arrive $0xFFFF  }
0x17e: {  	p0 =	sne.s32 s2, $0x0;
	_ =	strace $0x90000047  }
0x17f: {  	s0 =	sadd.s32 @!p0 $0x100000, s0;
	[bflag:$0x2] =	sbarrier.arrive $0xFFFF  }
0x180: {  	[sflag:s0] =	ssyncadd.tile.s32 @!p0 $0x1;
	_ =	shalt  }
.Lfunc_end2:
_tile_overlayer_lowered:
.L_overlay_start_2:
0x181: {  	(tag) =	ssettag $0x2  }
0x182: {  	s0 =	rddreg [dreg:$0x0];
	s2 =	stileid.u32  }
0x183: {  	s1 =	rddreg [dreg:$0x1];
	p0 =	sne.s32 s2, $0x0  }
0x184: {  	s3 =	rddreg [dreg:$0x2];
	[bflag:$0x3] =	sbarrier.arrive $0xFFFF;
	s2 =	simm.s32 @!p0 $0x1C02  }
0x185: {  	[timem:s3], [sflag:s2] =	dma.local @!p0 [hbm:s0], s1  }
0x186: {  	s0 =	simm.s32 @!p0 $0x2  }
0x187: {  	_ =	swait.ge @!p0 [sflag:s0], s1  }
0x188: {  	s1 =	ssub.s32 @!p0 $0x0, s1;
	[sflag:s0] =	ssyncset.done @!p0 $0x0  }
0x189: {  	[sflag:s0] =	ssyncadd.s32 @!p0 s1  }
0x18a: {  	[bflag:$0x3] =	sbarrier.arrive $0xFFFF  }
0x18b: {  	_ =	shalt  }

</sc_bundles>
